<compile_context>
chip_gen: v7x
topology: tpu7x:2x2x1
jax: 0.10.2.dev20260603
libtpu: 0.0.44.dev20260713+nightly
codegen_flags: <defaults>
</compile_context>

<pallas_src>
import functools

import jax
import jax.numpy as jnp
from jax import lax
from jax.experimental import pallas as pl
from jax.experimental.pallas import tpu as pltpu
from jax.experimental.pallas import tpu_sc as plsc

_NC = 2
_NS = 16
_EPS = 1e-5


def _pack_bf16_pair(x, f):
    u = lax.bitcast_convert_type(x.astype(jnp.bfloat16), jnp.uint16)
    h = f // 2
    w = u[:, :h].astype(jnp.uint32) | (u[:, h:].astype(jnp.uint32) << 16)
    return lax.bitcast_convert_type(w, jnp.int32)


def _proj_body(atom_ref, wnT_ref, out_ref):
    f = wnT_ref.shape[1]
    p = jnp.dot(atom_ref[...].astype(jnp.bfloat16), wnT_ref[...],
                preferred_element_type=jnp.float32)
    out_ref[...] = _pack_bf16_pair(p, f)


def _unpack_bf16_pair(xi):
    lo = lax.bitcast_convert_type(lax.shift_left(xi, 16), jnp.float32)
    hi = lax.bitcast_convert_type(
        lax.bitwise_and(xi, jnp.int32(-65536)), jnp.float32)
    return jnp.concatenate([lo, hi], axis=1)


def _make_gather(v, d, b, ch):
    nw = _NC * _NS
    b_per_w = b // nw
    n_ch = b_per_w // ch
    mesh = plsc.VectorSubcoreMesh(core_axis_name="c", subcore_axis_name="s")

    @functools.partial(
        pl.kernel,
        mesh=mesh,
        out_type=jax.ShapeDtypeStruct((b, d), jnp.int32),
        scratch_types=[
            pltpu.VMEM((ch,), jnp.int32),
            pltpu.VMEM((ch, d), jnp.int32),
            pltpu.SemaphoreType.DMA,
        ],
    )
    def gather_k(table_hbm, idx_hbm, out_hbm, idx_v, rows_v, sem):
        wid = lax.axis_index("s") * _NC + lax.axis_index("c")
        base = wid * b_per_w

        def step(c, carry):
            off = base + c * ch
            pltpu.sync_copy(idx_hbm.at[pl.ds(off, ch)], idx_v)
            pltpu.async_copy(table_hbm.at[idx_v], rows_v, sem).wait()
            pltpu.sync_copy(rows_v, out_hbm.at[pl.ds(off, ch)])
            return carry

        lax.fori_loop(0, n_ch, step, 0)

    return gather_k


def _stats_body(atom_ref, gath_ref, nbr_ref, mask_ref, wsT_ref,
                weT_ref, b_ref, sum_ref, sq_ref, cnt_ref):
    i = pl.program_id(0)
    ba, mm = mask_ref.shape
    f = wsT_ref.shape[1]
    s = jnp.dot(atom_ref[...].astype(jnp.bfloat16), wsT_ref[...],
                preferred_element_type=jnp.float32) + b_ref[...]
    g = _unpack_bf16_pair(gath_ref[...])
    e = jnp.dot(nbr_ref[...], weT_ref[...],
                preferred_element_type=jnp.float32)
    x3 = (g + e).reshape(ba, mm, f) + s[:, None, :]
    m3 = mask_ref[...][:, :, None]
    xm = x3 * m3
    sx = jnp.sum(jnp.sum(xm, axis=1), axis=0)[None, :]
    sq = jnp.sum(jnp.sum(xm * x3, axis=1), axis=0)[None, :]
    c = jnp.sum(mask_ref[...])

    @pl.when(i == 0)
    def _():
        sum_ref[...] = jnp.zeros_like(sum_ref)
        sq_ref[...] = jnp.zeros_like(sq_ref)
        cnt_ref[...] = jnp.zeros_like(cnt_ref)

    sum_ref[...] += sx
    sq_ref[...] += sq
    cnt_ref[...] = cnt_ref[...] + c


def _apply_body(atom_ref, gath_ref, nbr_ref, mask_ref, wsT_ref,
                weT_ref, b_ref, sum_ref, sq_ref, cnt_ref, g1_ref, b1_ref,
                ns_ref, s2_ref, q2_ref):
    i = pl.program_id(0)
    ba, mm = mask_ref.shape
    f = wsT_ref.shape[1]
    d = f // 2
    cnt = cnt_ref[0, 0]
    mean = sum_ref[...] / cnt
    var = sq_ref[...] / cnt - mean * mean
    scale = lax.rsqrt(var + _EPS) * g1_ref[...]
    shift = b1_ref[...] - mean * scale
    wsT_s = (wsT_ref[...] * scale).astype(jnp.bfloat16)
    weT_s = (weT_ref[...] * scale).astype(jnp.bfloat16)
    s = jnp.dot(atom_ref[...].astype(jnp.bfloat16), wsT_s,
                preferred_element_type=jnp.float32) \
        + (b_ref[...] * scale + shift)
    g = _unpack_bf16_pair(gath_ref[...]) * scale
    e = jnp.dot(nbr_ref[...], weT_s,
                preferred_element_type=jnp.float32)
    xn3 = (g + e).reshape(ba, mm, f) + s[:, None, :]
    filt = jax.nn.sigmoid(xn3[:, :, :d])
    core = jax.nn.softplus(xn3[:, :, d:])
    prod = filt * core * mask_ref[...][:, :, None]
    ns = jnp.sum(prod, axis=1)
    ns_ref[...] = ns

    @pl.when(i == 0)
    def _():
        s2_ref[...] = jnp.zeros_like(s2_ref)
        q2_ref[...] = jnp.zeros_like(q2_ref)

    s2_ref[...] += jnp.sum(ns, axis=0)[None, :]
    q2_ref[...] += jnp.sum(ns * ns, axis=0)[None, :]


def _final_body(n_total, atom_ref, ns_ref, s2_ref, q2_ref, g2_ref, b2_ref,
                out_ref):
    mean2 = s2_ref[...] / n_total
    var2 = q2_ref[...] / n_total - mean2 * mean2
    scale = lax.rsqrt(var2 + _EPS) * g2_ref[...]
    shift = b2_ref[...] - mean2 * scale
    out_ref[...] = jax.nn.softplus(
        atom_ref[...] + ns_ref[...] * scale + shift)


def _stats_kwargs(n, m, d, f, e_dim, ba):
    nb = n // ba
    bspec = pl.BlockSpec
    return dict(
        grid=(nb,),
        in_specs=[
            bspec((ba, d), lambda i: (i, 0)),
            bspec((ba * m, f // 2), lambda i: (i, 0)),
            bspec((ba * m, e_dim), lambda i: (i, 0)),
            bspec((ba, m), lambda i: (i, 0)),
            bspec((d, f), lambda i: (0, 0)),
            bspec((e_dim, f), lambda i: (0, 0)),
            bspec((1, f), lambda i: (0, 0)),
        ],
        out_specs=[
            bspec((1, f), lambda i: (0, 0)),
            bspec((1, f), lambda i: (0, 0)),
            bspec((1, 1), lambda i: (0, 0)),
        ],
        out_shape=[
            jax.ShapeDtypeStruct((1, f), jnp.float32),
            jax.ShapeDtypeStruct((1, f), jnp.float32),
            jax.ShapeDtypeStruct((1, 1), jnp.float32),
        ],
    )


def _apply_kwargs(n, m, d, f, e_dim, ba):
    nb = n // ba
    bspec = pl.BlockSpec
    return dict(
        grid=(nb,),
        in_specs=[
            bspec((ba, d), lambda i: (i, 0)),
            bspec((ba * m, f // 2), lambda i: (i, 0)),
            bspec((ba * m, e_dim), lambda i: (i, 0)),
            bspec((ba, m), lambda i: (i, 0)),
            bspec((d, f), lambda i: (0, 0)),
            bspec((e_dim, f), lambda i: (0, 0)),
            bspec((1, f), lambda i: (0, 0)),
            bspec((1, f), lambda i: (0, 0)),
            bspec((1, f), lambda i: (0, 0)),
            bspec((1, 1), lambda i: (0, 0)),
            bspec((1, f), lambda i: (0, 0)),
            bspec((1, f), lambda i: (0, 0)),
        ],
        out_specs=[
            bspec((ba, d), lambda i: (i, 0)),
            bspec((1, d), lambda i: (0, 0)),
            bspec((1, d), lambda i: (0, 0)),
        ],
        out_shape=[
            jax.ShapeDtypeStruct((n, d), jnp.float32),
            jax.ShapeDtypeStruct((1, d), jnp.float32),
            jax.ShapeDtypeStruct((1, d), jnp.float32),
        ],
    )


def _final_kwargs(n, d, ba):
    nb = n // ba
    bspec = pl.BlockSpec
    return dict(
        grid=(nb,),
        in_specs=[
            bspec((ba, d), lambda i: (i, 0)),
            bspec((ba, d), lambda i: (i, 0)),
            bspec((1, d), lambda i: (0, 0)),
            bspec((1, d), lambda i: (0, 0)),
            bspec((1, d), lambda i: (0, 0)),
            bspec((1, d), lambda i: (0, 0)),
        ],
        out_specs=bspec((ba, d), lambda i: (i, 0)),
        out_shape=jax.ShapeDtypeStruct((n, d), jnp.float32),
    )


def kernel(atom_in_fea, nbr_fea, nbr_fea_idx, tabulated_padding_fillter,
           W_full, b_full, bn1_gamma, bn1_beta, bn2_gamma, bn2_beta):
    n, m = nbr_fea_idx.shape
    d = atom_in_fea.shape[1]
    e_dim = nbr_fea.shape[2]
    f = 2 * d
    ba = 200

    idx = nbr_fea_idx.astype(jnp.int32).reshape(-1)
    wsT = W_full[:, :d].T.astype(jnp.bfloat16)
    wnT = W_full[:, d:2 * d].T.astype(jnp.bfloat16)
    weT = W_full[:, 2 * d:].T.astype(jnp.bfloat16)

    bspec = pl.BlockSpec
    packed = pl.pallas_call(
        _proj_body,
        grid=(n // ba,),
        in_specs=[bspec((ba, d), lambda i: (i, 0)),
                  bspec((d, f), lambda i: (0, 0))],
        out_specs=bspec((ba, f // 2), lambda i: (i, 0)),
        out_shape=jax.ShapeDtypeStruct((n, f // 2), jnp.int32),
    )(atom_in_fea, wnT)
    gathered = _make_gather(n, f // 2, n * m, 400)(packed, idx)
    nbr2 = nbr_fea.reshape(n * m, e_dim).astype(jnp.bfloat16)
    mask = tabulated_padding_fillter
    b2 = b_full.reshape(1, f)
    g1 = bn1_gamma.reshape(1, f)
    be1 = bn1_beta.reshape(1, f)
    g2 = bn2_gamma.reshape(1, d)
    be2 = bn2_beta.reshape(1, d)

    sum1, sq1, cnt = pl.pallas_call(
        _stats_body, **_stats_kwargs(n, m, d, f, e_dim, ba))(
        atom_in_fea, gathered, nbr2, mask, wsT, weT, b2)

    ns, s2, q2 = pl.pallas_call(
        _apply_body, **_apply_kwargs(n, m, d, f, e_dim, ba))(
        atom_in_fea, gathered, nbr2, mask, wsT, weT, b2,
        sum1, sq1, cnt, g1, be1)

    out = pl.pallas_call(
        functools.partial(_final_body, float(n)),
        **_final_kwargs(n, d, ba))(
        atom_in_fea, ns, s2, q2, g2, be2)
    return out

# --- scband reference (transcript-rebuilt; emitter-appended) ---
"""Pipeline reference for scband-conv-layer-16071767621927 (READ-ONLY COPY).

The authoritative reference and input builder live on the scoring server;
editing this copy changes nothing except your own understanding.
"""

import jax, jax.numpy as jnp
import numpy as np

N = 10000
M = 32
ATOM = 128
NBR = 16


def _masked_bn(x, mask, gamma, beta, eps=1e-5):
    # BatchNorm1d (training mode, biased var) applied only to rows where mask==1;
    # other rows pass through unchanged (faithful to the torch index-assign).
    cnt = jnp.sum(mask)
    mean = jnp.sum(x * mask[:, None], axis=0) / cnt
    var = jnp.sum(((x - mean) ** 2) * mask[:, None], axis=0) / cnt
    xn = (x - mean) / jnp.sqrt(var + eps) * gamma + beta
    return jnp.where(mask[:, None] > 0, xn, x)


def setup_inputs(seed: int = 0):
    key = jax.random.key(seed)
    ks = jax.random.split(key, 6)
    atom_in_fea = jax.random.normal(ks[0], (N, ATOM), dtype=jnp.float32)
    nbr_fea = jax.random.normal(ks[1], (N, M, NBR), dtype=jnp.float32)
    nbr_fea_idx = jax.random.randint(ks[2], (N, M), 0, N, dtype=jnp.int64)
    tabulated_padding_fillter = jnp.ones((N, M), dtype=jnp.float32)
    fan_in = 2 * ATOM + NBR
    W_full = jax.random.uniform(ks[3], (2 * ATOM, fan_in), dtype=jnp.float32,
                                minval=-1.0 / np.sqrt(fan_in), maxval=1.0 / np.sqrt(fan_in))
    b_full = jax.random.uniform(ks[4], (2 * ATOM,), dtype=jnp.float32,
                                minval=-1.0 / np.sqrt(fan_in), maxval=1.0 / np.sqrt(fan_in))
    bn1_gamma = jnp.ones((2 * ATOM,), dtype=jnp.float32)
    bn1_beta = jnp.zeros((2 * ATOM,), dtype=jnp.float32)
    bn2_gamma = jnp.ones((ATOM,), dtype=jnp.float32)
    bn2_beta = jnp.zeros((ATOM,), dtype=jnp.float32)
    return {
        'atom_in_fea': atom_in_fea,
        'nbr_fea': nbr_fea,
        'nbr_fea_idx': nbr_fea_idx,
        'tabulated_padding_fillter': tabulated_padding_fillter,
        'W_full': W_full,
        'b_full': b_full,
        'bn1_gamma': bn1_gamma,
        'bn1_beta': bn1_beta,
        'bn2_gamma': bn2_gamma,
        'bn2_beta': bn2_beta,
    }


def reference(atom_in_fea, nbr_fea, nbr_fea_idx, tabulated_padding_fillter,
              W_full, b_full, bn1_gamma, bn1_beta, bn2_gamma, bn2_beta):
    n, m = nbr_fea_idx.shape
    d = atom_in_fea.shape[1]
    atom_nbr_fea = jnp.take(atom_in_fea, nbr_fea_idx, axis=0)  # (N, M, d) gather
    self_fea = jnp.broadcast_to(atom_in_fea[:, None, :], (n, m, d))
    total_nbr_fea = jnp.concatenate([self_fea, atom_nbr_fea, nbr_fea], axis=2)
    total_gated_fea = total_nbr_fea @ W_full.T + b_full  # (N, M, 2d)
    flat = total_gated_fea.reshape(-1, 2 * d)
    mflat = tabulated_padding_fillter.reshape(-1)
    flat = _masked_bn(flat, mflat, bn1_gamma, bn1_beta)
    total_gated_fea = flat.reshape(n, m, 2 * d)
    nbr_filter, nbr_core = jnp.split(total_gated_fea, 2, axis=2)
    nbr_filter = jax.nn.sigmoid(nbr_filter)
    nbr_core = jax.nn.softplus(nbr_core)
    nbr_sumed = jnp.sum(nbr_filter * nbr_core * tabulated_padding_fillter[:, :, None], axis=1)
    mean2 = jnp.mean(nbr_sumed, axis=0)
    var2 = jnp.var(nbr_sumed, axis=0)
    nbr_sumed = (nbr_sumed - mean2) / jnp.sqrt(var2 + 1e-5) * bn2_gamma + bn2_beta
    out = jax.nn.softplus(atom_in_fea + nbr_sumed)
    return out

if __name__ == "__main__":
    import jax
    _d = setup_inputs()
    print(jax.jit(kernel)(*tuple(_d.values())))

</pallas_src>

<mosaic_0001>
#map = affine_map<(d0, d1) -> (0, 0)>
#map1 = affine_map<(d0, d1) -> (0)>
module attributes {stable_mosaic.version = 14 : i64} {
  func.func @gather_k(%arg0: i32, %arg1: i32, %arg2: memref<10000x128xi32, #tpu.memory_space<hbm>>, %arg3: memref<320000xi32, #tpu.memory_space<hbm>>, %arg4: memref<320000x128xi32, #tpu.memory_space<hbm>>, %arg5: memref<400xi32, #tpu.memory_space<vmem>>, %arg6: memref<400x128xi32, #tpu.memory_space<vmem>>, %arg7: memref<!tpu.dma_semaphore, #tpu.memory_space<semaphore_mem>>) attributes {dimension_semantics = [#tpu.dimension_semantics<core_parallel>, #tpu.dimension_semantics<subcore_parallel>], iteration_bounds = array<i64: 2, 16>, scalar_prefetch = 0 : i64, scratch_operands = 3 : i64, tpu.core_type = #tpu.core_type<sc_vector_subcore>, window_params = [{transform_indices = #map}, {transform_indices = #map1}, {transform_indices = #map}]} {
    %mul3A = arith.constant 2 : i32
    %mul3A_0 = arith.muli %arg1, %mul3A : i32
    %add3A = arith.addi %mul3A_0, %arg0 : i32
    %mul3A_1 = arith.constant 10000 : i32
    %mul3A_2 = arith.muli %add3A, %mul3A_1 : i32
    %scan3A = arith.constant 0 : i32
    %scan3A_3 = arith.constant 0 : i32
    %scan3A_4 = arith.constant 25 : i32
    %scan3A_5 = arith.addi %scan3A_3, %scan3A_4 : i32
    %scan3A_6 = arith.constant 1 : i32
    scf.for %scan3A_8 = %scan3A_3 to %scan3A_5 step %scan3A_6  : i32 {
      %mul3A_9 = arith.constant 400 : i32
      %mul3A_10 = arith.muli %scan3A_8, %mul3A_9 : i32
      %add3A_11 = arith.addi %mul3A_2, %mul3A_10 : i32
      "tpu.region"() ({
        %run_scoped3A = tpu.sem_alloc : memref<!tpu.dma_semaphore, #tpu.memory_space<semaphore_mem>>
        %dma_start3A_16 = tpu.memref_slice %arg3[%add3A_11] : memref<320000xi32, #tpu.memory_space<hbm>> -> memref<400xi32, #tpu.memory_space<hbm>>
        %dma_start3A_17 = tpu.memref_slice %arg3[%add3A_11] : memref<320000xi32, #tpu.memory_space<hbm>> -> memref<400xi32, #tpu.memory_space<hbm>>
        tpu.enqueue_dma source(%dma_start3A_17 : memref<400xi32, #tpu.memory_space<hbm>>) target(%arg5 : memref<400xi32, #tpu.memory_space<vmem>>) target_semaphore(%run_scoped3A : memref<!tpu.dma_semaphore, #tpu.memory_space<semaphore_mem>>)
        %dma_wait3A_18 = tpu.memref_slice %arg3[%add3A_11] : memref<320000xi32, #tpu.memory_space<hbm>> -> memref<400xi32, #tpu.memory_space<hbm>>
        %dma_wait3A_19 = tpu.memref_slice %arg3[%add3A_11] : memref<320000xi32, #tpu.memory_space<hbm>> -> memref<400xi32, #tpu.memory_space<hbm>>
        tpu.wait_dma2 semaphore(%run_scoped3A : memref<!tpu.dma_semaphore, #tpu.memory_space<semaphore_mem>>) src(%dma_wait3A_19 : memref<400xi32, #tpu.memory_space<hbm>>) dst(%arg5 : memref<400xi32, #tpu.memory_space<vmem>>)
        tpu.yield
      }) : () -> ()
      %dma_start3A = arith.constant 0 : i32
      %dma_start3A_12 = arith.constant 0 : i32
      %dma_start3A_13 = tpu.memref_slice %arg2[%dma_start3A, %dma_start3A_12] : memref<10000x128xi32, #tpu.memory_space<hbm>> -> memref<10000x128xi32, #tpu.memory_space<hbm>>
      tpu.enqueue_indirect_dma source(%dma_start3A_13 : memref<10000x128xi32, #tpu.memory_space<hbm>>) target(%arg6 : memref<400x128xi32, #tpu.memory_space<vmem>>) offsets(%arg5 : memref<400xi32, #tpu.memory_space<vmem>>) semaphore(%arg7 : memref<!tpu.dma_semaphore, #tpu.memory_space<semaphore_mem>>)
      %dma_wait3A = arith.constant 0 : i32
      %dma_wait3A_14 = arith.constant 0 : i32
      %dma_wait3A_15 = tpu.memref_slice %arg2[%dma_wait3A, %dma_wait3A_14] : memref<10000x128xi32, #tpu.memory_space<hbm>> -> memref<10000x128xi32, #tpu.memory_space<hbm>>
      tpu.wait_indirect_dma semaphore(%arg7 : memref<!tpu.dma_semaphore, #tpu.memory_space<semaphore_mem>>) src(%dma_wait3A_15 : memref<10000x128xi32, #tpu.memory_space<hbm>>) dst(%arg6 : memref<400x128xi32, #tpu.memory_space<vmem>>)
      "tpu.region"() ({
        %run_scoped3A = tpu.sem_alloc : memref<!tpu.dma_semaphore, #tpu.memory_space<semaphore_mem>>
        %dma_start3A_16 = arith.constant 0 : i32
        %dma_start3A_17 = tpu.memref_slice %arg4[%add3A_11, %dma_start3A_16] : memref<320000x128xi32, #tpu.memory_space<hbm>> -> memref<400x128xi32, #tpu.memory_space<hbm>>
        %dma_start3A_18 = arith.constant 0 : i32
        %dma_start3A_19 = tpu.memref_slice %arg4[%add3A_11, %dma_start3A_18] : memref<320000x128xi32, #tpu.memory_space<hbm>> -> memref<400x128xi32, #tpu.memory_space<hbm>>
        tpu.enqueue_dma source(%arg6 : memref<400x128xi32, #tpu.memory_space<vmem>>) target(%dma_start3A_19 : memref<400x128xi32, #tpu.memory_space<hbm>>) target_semaphore(%run_scoped3A : memref<!tpu.dma_semaphore, #tpu.memory_space<semaphore_mem>>)
        %dma_wait3A_20 = arith.constant 0 : i32
        %dma_wait3A_21 = tpu.memref_slice %arg4[%add3A_11, %dma_wait3A_20] : memref<320000x128xi32, #tpu.memory_space<hbm>> -> memref<400x128xi32, #tpu.memory_space<hbm>>
        %dma_wait3A_22 = arith.constant 0 : i32
        %dma_wait3A_23 = tpu.memref_slice %arg4[%add3A_11, %dma_wait3A_22] : memref<320000x128xi32, #tpu.memory_space<hbm>> -> memref<400x128xi32, #tpu.memory_space<hbm>>
        tpu.wait_dma2 semaphore(%run_scoped3A : memref<!tpu.dma_semaphore, #tpu.memory_space<semaphore_mem>>) src(%arg6 : memref<400x128xi32, #tpu.memory_space<vmem>>) dst(%dma_wait3A_23 : memref<400x128xi32, #tpu.memory_space<hbm>>)
        tpu.yield
      }) : () -> ()
    }
    %scan3A_7 = arith.constant 25 : i32
    return
  }
}

module attributes {stable_mosaic.version = 14 : i64} {
  func.func @_proj_body(%arg0: i32, %arg1: memref<200x128xf32, #tpu.memory_space<vmem>>, %arg2: memref<128x256xbf16, #tpu.memory_space<vmem>>, %arg3: memref<200x128xi32, #tpu.memory_space<vmem>>) attributes {dimension_semantics = [#tpu.dimension_semantics<arbitrary>], iteration_bounds = array<i64: 50>, scalar_prefetch = 0 : i64, scratch_operands = 0 : i64, tpu.core_type = #tpu.core_type<tc>, window_params = [{transform_indices = @transform_0, window_bounds = array<i64: 200, 128>}, {pipeline_mode = #tpu.pipeline_mode<synchronous>, transform_indices = @transform_1, window_bounds = array<i64: 128, 256>}, {transform_indices = @transform_2, window_bounds = array<i64: 200, 128>}]} {
    %get3A = arith.constant 0 : index
    %get3A_0 = arith.constant 0 : index
    %get3A_1 = vector.load %arg1[%get3A, %get3A_0] : memref<200x128xf32, #tpu.memory_space<vmem>>, vector<200x128xf32>
    %convert_element_type3A = arith.truncf %get3A_1 : vector<200x128xf32> to vector<200x128xbf16>
    %get3A_2 = arith.constant 0 : index
    %get3A_3 = arith.constant 0 : index
    %get3A_4 = vector.load %arg2[%get3A_2, %get3A_3] : memref<128x256xbf16, #tpu.memory_space<vmem>>, vector<128x256xbf16>
    %dot_general3A = arith.constant dense<0.000000e+00> : vector<200x256xf32>
    %dot_general3A_5 = tpu.matmul %convert_element_type3A, %get3A_4, %dot_general3A {dimension_numbers = #tpu.dot_dimension_numbers<[1], [0], [0], [1], [0, 0, 1, 1], [], []>, transpose_lhs_hint = false} : vector<200x128xbf16>, vector<128x256xbf16>, vector<200x256xf32> -> vector<200x256xf32>
    %convert_element_type3A_6 = arith.truncf %dot_general3A_5 : vector<200x256xf32> to vector<200x256xbf16>
    %bitcast_convert_type3A = tpu.bitcast %convert_element_type3A_6 : vector<200x256xbf16> -> vector<200x256xi16>
    %slice3A = vector.extract_strided_slice %bitcast_convert_type3A {offsets = [0, 0], sizes = [200, 128], strides = [1, 1]} : vector<200x256xi16> to vector<200x128xi16>
    %convert_element_type3A_7 = arith.extui %slice3A : vector<200x128xi16> to vector<200x128xi32>
    %slice3A_8 = vector.extract_strided_slice %bitcast_convert_type3A {offsets = [0, 128], sizes = [200, 128], strides = [1, 1]} : vector<200x256xi16> to vector<200x128xi16>
    %convert_element_type3A_9 = arith.extui %slice3A_8 : vector<200x128xi16> to vector<200x128xi32>
    %shift_left3A = arith.constant 16 : i32
    %shift_left3A_10 = vector.broadcast %shift_left3A : i32 to vector<200x128xi32>
    %shift_left3A_11 = arith.shli %convert_element_type3A_9, %shift_left3A_10 : vector<200x128xi32>
    %or3A = arith.ori %convert_element_type3A_7, %shift_left3A_11 : vector<200x128xi32>
    %bitcast_convert_type3A_12 = tpu.bitcast %or3A : vector<200x128xi32> -> vector<200x128xi32>
    %swap3A = arith.constant 0 : index
    %swap3A_13 = arith.constant 0 : index
    %swap3A_14 = vector.load %arg3[%swap3A, %swap3A_13] : memref<200x128xi32, #tpu.memory_space<vmem>>, vector<200x128xi32>
    tpu.vector_store %arg3[%swap3A, %swap3A_13], %bitcast_convert_type3A_12 {strides = array<i32>} : memref<200x128xi32, #tpu.memory_space<vmem>>, vector<200x128xi32>,
    return
  }
  func.func @transform_0(%arg0: i32) -> (i32, i32) {
    %c0_i32 = arith.constant 0 : i32
    %c0_i32_0 = arith.constant 0 : i32
    return %arg0, %c0_i32 : i32, i32
  }
  func.func @transform_1(%arg0: i32) -> (i32, i32) {
    %c0_i32 = arith.constant 0 : i32
    %c0_i32_0 = arith.constant 0 : i32
    %c0_i32_1 = arith.constant 0 : i32
    return %c0_i32, %c0_i32_0 : i32, i32
  }
  func.func @transform_2(%arg0: i32) -> (i32, i32) {
    %c0_i32 = arith.constant 0 : i32
    %c0_i32_0 = arith.constant 0 : i32
    return %arg0, %c0_i32 : i32, i32
  }
}

module attributes {stable_mosaic.version = 14 : i64} {
  func.func @_stats_body(%arg0: i32, %arg1: memref<200x128xf32, #tpu.memory_space<vmem>>, %arg2: memref<6400x128xi32, #tpu.memory_space<vmem>>, %arg3: memref<6400x16xbf16, #tpu.memory_space<vmem>>, %arg4: memref<200x32xf32, #tpu.memory_space<vmem>>, %arg5: memref<128x256xbf16, #tpu.memory_space<vmem>>, %arg6: memref<16x256xbf16, #tpu.memory_space<vmem>>, %arg7: memref<1x256xf32, #tpu.memory_space<vmem>>, %arg8: memref<1x256xf32, #tpu.memory_space<vmem>>, %arg9: memref<1x256xf32, #tpu.memory_space<vmem>>, %arg10: memref<1x1xf32, #tpu.memory_space<vmem>>) attributes {dimension_semantics = [#tpu.dimension_semantics<arbitrary>], iteration_bounds = array<i64: 50>, scalar_prefetch = 0 : i64, scratch_operands = 0 : i64, tpu.core_type = #tpu.core_type<tc>, window_params = [{transform_indices = @transform_0, window_bounds = array<i64: 200, 128>}, {transform_indices = @transform_1, window_bounds = array<i64: 6400, 128>}, {transform_indices = @transform_2, window_bounds = array<i64: 6400, 16>}, {transform_indices = @transform_3, window_bounds = array<i64: 200, 32>}, {pipeline_mode = #tpu.pipeline_mode<synchronous>, transform_indices = @transform_4, window_bounds = array<i64: 128, 256>}, {pipeline_mode = #tpu.pipeline_mode<synchronous>, transform_indices = @transform_5, window_bounds = array<i64: 16, 256>}, {pipeline_mode = #tpu.pipeline_mode<synchronous>, transform_indices = @transform_6, window_bounds = array<i64: 1, 256>}, {pipeline_mode = #tpu.pipeline_mode<synchronous>, transform_indices = @transform_7, window_bounds = array<i64: 1, 256>}, {pipeline_mode = #tpu.pipeline_mode<synchronous>, transform_indices = @transform_8, window_bounds = array<i64: 1, 256>}, {pipeline_mode = #tpu.pipeline_mode<synchronous>, transform_indices = @transform_9, window_bounds = array<i64: 1, 1>}]} {
    %get3A = arith.constant 0 : index
    %get3A_0 = arith.constant 0 : index
    %get3A_1 = vector.load %arg1[%get3A, %get3A_0] : memref<200x128xf32, #tpu.memory_space<vmem>>, vector<200x128xf32>
    %convert_element_type3A = arith.truncf %get3A_1 : vector<200x128xf32> to vector<200x128xbf16>
    %get3A_2 = arith.constant 0 : index
    %get3A_3 = arith.constant 0 : index
    %get3A_4 = vector.load %arg5[%get3A_2, %get3A_3] : memref<128x256xbf16, #tpu.memory_space<vmem>>, vector<128x256xbf16>
    %dot_general3A = arith.constant dense<0.000000e+00> : vector<200x256xf32>
    %dot_general3A_5 = tpu.matmul %convert_element_type3A, %get3A_4, %dot_general3A {dimension_numbers = #tpu.dot_dimension_numbers<[1], [0], [0], [1], [0, 0, 1, 1], [], []>, transpose_lhs_hint = false} : vector<200x128xbf16>, vector<128x256xbf16>, vector<200x256xf32> -> vector<200x256xf32>
    %get3A_6 = arith.constant 0 : index
    %get3A_7 = arith.constant 0 : index
    %get3A_8 = vector.load %arg7[%get3A_6, %get3A_7] : memref<1x256xf32, #tpu.memory_space<vmem>>, vector<1x256xf32>
    %add3A = vector.broadcast %get3A_8 : vector<1x256xf32> to vector<200x256xf32>
    %add3A_9 = arith.addf %dot_general3A_5, %add3A : vector<200x256xf32>
    %get3A_10 = arith.constant 0 : index
    %get3A_11 = arith.constant 0 : index
    %get3A_12 = vector.load %arg2[%get3A_10, %get3A_11] : memref<6400x128xi32, #tpu.memory_space<vmem>>, vector<6400x128xi32>
    %shift_left3A = arith.constant 16 : i32
    %shift_left3A_13 = vector.broadcast %shift_left3A : i32 to vector<6400x128xi32>
    %shift_left3A_14 = arith.shli %get3A_12, %shift_left3A_13 : vector<6400x128xi32>
    %bitcast_convert_type3A = tpu.bitcast %shift_left3A_14 : vector<6400x128xi32> -> vector<6400x128xf32>
    %and3A = arith.constant -65536 : i32
    %and3A_15 = vector.broadcast %and3A : i32 to vector<6400x128xi32>
    %and3A_16 = arith.andi %get3A_12, %and3A_15 : vector<6400x128xi32>
    %bitcast_convert_type3A_17 = tpu.bitcast %and3A_16 : vector<6400x128xi32> -> vector<6400x128xf32>
    %concatenate3A = tpu.concatenate %bitcast_convert_type3A, %bitcast_convert_type3A_17 in 1 : vector<6400x128xf32>, vector<6400x128xf32> -> vector<6400x256xf32>
    %get3A_18 = arith.constant 0 : index
    %get3A_19 = arith.constant 0 : index
    %get3A_20 = vector.load %arg3[%get3A_18, %get3A_19] : memref<6400x16xbf16, #tpu.memory_space<vmem>>, vector<6400x16xbf16>
    %get3A_21 = arith.constant 0 : index
    %get3A_22 = arith.constant 0 : index
    %get3A_23 = vector.load %arg6[%get3A_21, %get3A_22] : memref<16x256xbf16, #tpu.memory_space<vmem>>, vector<16x256xbf16>
    %dot_general3A_24 = arith.constant dense<0.000000e+00> : vector<6400x256xf32>
    %dot_general3A_25 = tpu.matmul %get3A_20, %get3A_23, %dot_general3A_24 {dimension_numbers = #tpu.dot_dimension_numbers<[1], [0], [0], [1], [0, 0, 1, 1], [], []>, transpose_lhs_hint = false} : vector<6400x16xbf16>, vector<16x256xbf16>, vector<6400x256xf32> -> vector<6400x256xf32>
    %add3A_26 = arith.addf %concatenate3A, %dot_general3A_25 : vector<6400x256xf32>
    %reshape3A = vector.shape_cast %add3A_26 : vector<6400x256xf32> to vector<200x32x256xf32>
    %broadcast_in_dim3A = vector.shape_cast %add3A_9 : vector<200x256xf32> to vector<200x1x256xf32>
    %add3A_27 = vector.broadcast %broadcast_in_dim3A : vector<200x1x256xf32> to vector<200x32x256xf32>
    %add3A_28 = arith.addf %reshape3A, %add3A_27 : vector<200x32x256xf32>
    %get3A_29 = arith.constant 0 : index
    %get3A_30 = arith.constant 0 : index
    %get3A_31 = vector.load %arg4[%get3A_29, %get3A_30] : memref<200x32xf32, #tpu.memory_space<vmem>>, vector<200x32xf32>
    %broadcast_in_dim3A_32 = vector.shape_cast %get3A_31 : vector<200x32xf32> to vector<200x32x1xf32>
    %mul3A = vector.broadcast %broadcast_in_dim3A_32 : vector<200x32x1xf32> to vector<200x32x256xf32>
    %mul3A_33 = arith.mulf %add3A_28, %mul3A : vector<200x32x256xf32>
    %reduce_sum3A = arith.constant dense<0.000000e+00> : vector<200x256xf32>
    %reduce_sum3A_34 = vector.multi_reduction <add>, %mul3A_33, %reduce_sum3A [1] : vector<200x32x256xf32> to vector<200x256xf32>
    %reduce_sum3A_35 = arith.constant dense<0.000000e+00> : vector<256xf32>
    %reduce_sum3A_36 = vector.multi_reduction <add>, %reduce_sum3A_34, %reduce_sum3A_35 [0] : vector<200x256xf32> to vector<256xf32>
    %broadcast_in_dim3A_37 = vector.shape_cast %reduce_sum3A_36 : vector<256xf32> to vector<1x256xf32>
    %mul3A_38 = arith.mulf %mul3A_33, %add3A_28 : vector<200x32x256xf32>
    %reduce_sum3A_39 = arith.constant dense<0.000000e+00> : vector<200x256xf32>
    %reduce_sum3A_40 = vector.multi_reduction <add>, %mul3A_38, %reduce_sum3A_39 [1] : vector<200x32x256xf32> to vector<200x256xf32>
    %reduce_sum3A_41 = arith.constant dense<0.000000e+00> : vector<256xf32>
    %reduce_sum3A_42 = vector.multi_reduction <add>, %reduce_sum3A_40, %reduce_sum3A_41 [0] : vector<200x256xf32> to vector<256xf32>
    %broadcast_in_dim3A_43 = vector.shape_cast %reduce_sum3A_42 : vector<256xf32> to vector<1x256xf32>
    %get3A_44 = arith.constant 0 : index
    %get3A_45 = arith.constant 0 : index
    %get3A_46 = vector.load %arg4[%get3A_44, %get3A_45] : memref<200x32xf32, #tpu.memory_space<vmem>>, vector<200x32xf32>
    %reduce_sum3A_47 = vector.shape_cast %get3A_46 : vector<200x32xf32> to vector<1x200x32xf32>
    %reduce_sum3A_48 = arith.constant dense<0.000000e+00> : vector<1xf32>
    %reduce_sum3A_49 = vector.multi_reduction <add>, %reduce_sum3A_47, %reduce_sum3A_48 [1, 2] : vector<1x200x32xf32> to vector<1xf32>
    %reduce_sum3A_50 = vector.shape_cast %reduce_sum3A_49 : vector<1xf32> to vector<1x1x1xf32>
    %reduce_sum3A_51 = vector.extract %reduce_sum3A_50[0, 0, 0] : f32 from vector<1x1x1xf32>
    %eq3A = arith.constant 0 : i32
    %eq3A_52 = arith.cmpi eq, %arg0, %eq3A : i32
    %convert_element_type3A_53 = arith.extui %eq3A_52 : i1 to i32
    %cond3A = arith.constant 0 : i32
    %cond3A_54 = arith.cmpi ne, %convert_element_type3A_53, %cond3A : i32
    scf.if %cond3A_54 {
      %broadcast_in_dim3A_76 = arith.constant 0.000000e+00 : f32
      %broadcast_in_dim3A_77 = vector.broadcast %broadcast_in_dim3A_76 : f32 to vector<1x256xf32>
      %swap3A_78 = arith.constant 0 : index
      %swap3A_79 = arith.constant 0 : index
      %swap3A_80 = vector.load %arg8[%swap3A_78, %swap3A_79] : memref<1x256xf32, #tpu.memory_space<vmem>>, vector<1x256xf32>
      tpu.vector_store %arg8[%swap3A_78, %swap3A_79], %broadcast_in_dim3A_77 {strides = array<i32>} : memref<1x256xf32, #tpu.memory_space<vmem>>, vector<1x256xf32>,
      %broadcast_in_dim3A_81 = arith.constant 0.000000e+00 : f32
      %broadcast_in_dim3A_82 = vector.broadcast %broadcast_in_dim3A_81 : f32 to vector<1x256xf32>
      %swap3A_83 = arith.constant 0 : index
      %swap3A_84 = arith.constant 0 : index
      %swap3A_85 = vector.load %arg9[%swap3A_83, %swap3A_84] : memref<1x256xf32, #tpu.memory_space<vmem>>, vector<1x256xf32>
      tpu.vector_store %arg9[%swap3A_83, %swap3A_84], %broadcast_in_dim3A_82 {strides = array<i32>} : memref<1x256xf32, #tpu.memory_space<vmem>>, vector<1x256xf32>,
      %broadcast_in_dim3A_86 = arith.constant 0.000000e+00 : f32
      %broadcast_in_dim3A_87 = vector.broadcast %broadcast_in_dim3A_86 : f32 to vector<1x1xf32>
      %swap3A_88 = arith.constant 0 : index
      %swap3A_89 = arith.constant 0 : index
      %swap3A_90 = vector.load %arg10[%swap3A_88, %swap3A_89] : memref<1x1xf32, #tpu.memory_space<vmem>>, vector<1x1xf32>
      tpu.vector_store %arg10[%swap3A_88, %swap3A_89], %broadcast_in_dim3A_87 {strides = array<i32>} : memref<1x1xf32, #tpu.memory_space<vmem>>, vector<1x1xf32>,
    } else {
    }
    %get3A_55 = arith.constant 0 : index
    %get3A_56 = arith.constant 0 : index
    %get3A_57 = vector.load %arg8[%get3A_55, %get3A_56] : memref<1x256xf32, #tpu.memory_space<vmem>>, vector<1x256xf32>
    %add3A_58 = arith.addf %get3A_57, %broadcast_in_dim3A_37 : vector<1x256xf32>
    %swap3A = arith.constant 0 : index
    %swap3A_59 = arith.constant 0 : index
    %swap3A_60 = vector.load %arg8[%swap3A, %swap3A_59] : memref<1x256xf32, #tpu.memory_space<vmem>>, vector<1x256xf32>
    tpu.vector_store %arg8[%swap3A, %swap3A_59], %add3A_58 {strides = array<i32>} : memref<1x256xf32, #tpu.memory_space<vmem>>, vector<1x256xf32>,
    %get3A_61 = arith.constant 0 : index
    %get3A_62 = arith.constant 0 : index
    %get3A_63 = vector.load %arg9[%get3A_61, %get3A_62] : memref<1x256xf32, #tpu.memory_space<vmem>>, vector<1x256xf32>
    %add3A_64 = arith.addf %get3A_63, %broadcast_in_dim3A_43 : vector<1x256xf32>
    %swap3A_65 = arith.constant 0 : index
    %swap3A_66 = arith.constant 0 : index
    %swap3A_67 = vector.load %arg9[%swap3A_65, %swap3A_66] : memref<1x256xf32, #tpu.memory_space<vmem>>, vector<1x256xf32>
    tpu.vector_store %arg9[%swap3A_65, %swap3A_66], %add3A_64 {strides = array<i32>} : memref<1x256xf32, #tpu.memory_space<vmem>>, vector<1x256xf32>,
    %get3A_68 = arith.constant 0 : index
    %get3A_69 = arith.constant 0 : index
    %get3A_70 = vector.load %arg10[%get3A_68, %get3A_69] : memref<1x1xf32, #tpu.memory_space<vmem>>, vector<1x1xf32>
    %add3A_71 = vector.broadcast %reduce_sum3A_51 : f32 to vector<1x1xf32>
    %add3A_72 = arith.addf %get3A_70, %add3A_71 : vector<1x1xf32>
    %swap3A_73 = arith.constant 0 : index
    %swap3A_74 = arith.constant 0 : index
    %swap3A_75 = vector.load %arg10[%swap3A_73, %swap3A_74] : memref<1x1xf32, #tpu.memory_space<vmem>>, vector<1x1xf32>
    tpu.vector_store %arg10[%swap3A_73, %swap3A_74], %add3A_72 {strides = array<i32>} : memref<1x1xf32, #tpu.memory_space<vmem>>, vector<1x1xf32>,
    return
  }
  func.func @transform_0(%arg0: i32) -> (i32, i32) {
    %c0_i32 = arith.constant 0 : i32
    %c0_i32_0 = arith.constant 0 : i32
    return %arg0, %c0_i32 : i32, i32
  }
  func.func @transform_1(%arg0: i32) -> (i32, i32) {
    %c0_i32 = arith.constant 0 : i32
    %c0_i32_0 = arith.constant 0 : i32
    return %arg0, %c0_i32 : i32, i32
  }
  func.func @transform_2(%arg0: i32) -> (i32, i32) {
    %c0_i32 = arith.constant 0 : i32
    %c0_i32_0 = arith.constant 0 : i32
    return %arg0, %c0_i32 : i32, i32
  }
  func.func @transform_3(%arg0: i32) -> (i32, i32) {
    %c0_i32 = arith.constant 0 : i32
    %c0_i32_0 = arith.constant 0 : i32
    return %arg0, %c0_i32 : i32, i32
  }
  func.func @transform_4(%arg0: i32) -> (i32, i32) {
    %c0_i32 = arith.constant 0 : i32
    %c0_i32_0 = arith.constant 0 : i32
    %c0_i32_1 = arith.constant 0 : i32
    return %c0_i32, %c0_i32_0 : i32, i32
  }
  func.func @transform_5(%arg0: i32) -> (i32, i32) {
    %c0_i32 = arith.constant 0 : i32
    %c0_i32_0 = arith.constant 0 : i32
    %c0_i32_1 = arith.constant 0 : i32
    return %c0_i32, %c0_i32_0 : i32, i32
  }
  func.func @transform_6(%arg0: i32) -> (i32, i32) {
    %c0_i32 = arith.constant 0 : i32
    %c0_i32_0 = arith.constant 0 : i32
    %c0_i32_1 = arith.constant 0 : i32
    return %c0_i32, %c0_i32_0 : i32, i32
  }
  func.func @transform_7(%arg0: i32) -> (i32, i32) {
    %c0_i32 = arith.constant 0 : i32
    %c0_i32_0 = arith.constant 0 : i32
    %c0_i32_1 = arith.constant 0 : i32
    return %c0_i32, %c0_i32_0 : i32, i32
  }
  func.func @transform_8(%arg0: i32) -> (i32, i32) {
    %c0_i32 = arith.constant 0 : i32
    %c0_i32_0 = arith.constant 0 : i32
    %c0_i32_1 = arith.constant 0 : i32
    return %c0_i32, %c0_i32_0 : i32, i32
  }
  func.func @transform_9(%arg0: i32) -> (i32, i32) {
    %c0_i32 = arith.constant 0 : i32
    %c0_i32_0 = arith.constant 0 : i32
    %c0_i32_1 = arith.constant 0 : i32
    return %c0_i32, %c0_i32_0 : i32, i32
  }
}

module attributes {stable_mosaic.version = 14 : i64} {
  func.func @_final_body(%arg0: i32, %arg1: memref<200x128xf32, #tpu.memory_space<vmem>>, %arg2: memref<200x128xf32, #tpu.memory_space<vmem>>, %arg3: memref<1x128xf32, #tpu.memory_space<vmem>>, %arg4: memref<1x128xf32, #tpu.memory_space<vmem>>, %arg5: memref<1x128xf32, #tpu.memory_space<vmem>>, %arg6: memref<1x128xf32, #tpu.memory_space<vmem>>, %arg7: memref<200x128xf32, #tpu.memory_space<vmem>>) attributes {dimension_semantics = [#tpu.dimension_semantics<arbitrary>], iteration_bounds = array<i64: 50>, scalar_prefetch = 0 : i64, scratch_operands = 0 : i64, tpu.core_type = #tpu.core_type<tc>, window_params = [{transform_indices = @transform_0, window_bounds = array<i64: 200, 128>}, {transform_indices = @transform_1, window_bounds = array<i64: 200, 128>}, {pipeline_mode = #tpu.pipeline_mode<synchronous>, transform_indices = @transform_2, window_bounds = array<i64: 1, 128>}, {pipeline_mode = #tpu.pipeline_mode<synchronous>, transform_indices = @transform_3, window_bounds = array<i64: 1, 128>}, {pipeline_mode = #tpu.pipeline_mode<synchronous>, transform_indices = @transform_4, window_bounds = array<i64: 1, 128>}, {pipeline_mode = #tpu.pipeline_mode<synchronous>, transform_indices = @transform_5, window_bounds = array<i64: 1, 128>}, {transform_indices = @transform_6, window_bounds = array<i64: 200, 128>}]} {
    %get3A = arith.constant 0 : index
    %get3A_0 = arith.constant 0 : index
    %get3A_1 = vector.load %arg3[%get3A, %get3A_0] : memref<1x128xf32, #tpu.memory_space<vmem>>, vector<1x128xf32>
    %div3A = arith.constant 1.000000e+04 : f32
    %div3A_2 = vector.broadcast %div3A : f32 to vector<1x128xf32>
    %div3A_3 = arith.divf %get3A_1, %div3A_2 : vector<1x128xf32>
    %get3A_4 = arith.constant 0 : index
    %get3A_5 = arith.constant 0 : index
    %get3A_6 = vector.load %arg4[%get3A_4, %get3A_5] : memref<1x128xf32, #tpu.memory_space<vmem>>, vector<1x128xf32>
    %div3A_7 = arith.constant 1.000000e+04 : f32
    %div3A_8 = vector.broadcast %div3A_7 : f32 to vector<1x128xf32>
    %div3A_9 = arith.divf %get3A_6, %div3A_8 : vector<1x128xf32>
    %mul3A = arith.mulf %div3A_3, %div3A_3 : vector<1x128xf32>
    %sub3A = arith.subf %div3A_9, %mul3A : vector<1x128xf32>
    %add3A = arith.constant 9.99999974E-6 : f32
    %add3A_10 = vector.broadcast %add3A : f32 to vector<1x128xf32>
    %add3A_11 = arith.addf %sub3A, %add3A_10 : vector<1x128xf32>
    %rsqrt3A = math.rsqrt %add3A_11 : vector<1x128xf32>
    %get3A_12 = arith.constant 0 : index
    %get3A_13 = arith.constant 0 : index
    %get3A_14 = vector.load %arg5[%get3A_12, %get3A_13] : memref<1x128xf32, #tpu.memory_space<vmem>>, vector<1x128xf32>
    %mul3A_15 = arith.mulf %rsqrt3A, %get3A_14 : vector<1x128xf32>
    %get3A_16 = arith.constant 0 : index
    %get3A_17 = arith.constant 0 : index
    %get3A_18 = vector.load %arg6[%get3A_16, %get3A_17] : memref<1x128xf32, #tpu.memory_space<vmem>>, vector<1x128xf32>
    %mul3A_19 = arith.mulf %div3A_3, %mul3A_15 : vector<1x128xf32>
    %sub3A_20 = arith.subf %get3A_18, %mul3A_19 : vector<1x128xf32>
    %get3A_21 = arith.constant 0 : index
    %get3A_22 = arith.constant 0 : index
    %get3A_23 = vector.load %arg1[%get3A_21, %get3A_22] : memref<200x128xf32, #tpu.memory_space<vmem>>, vector<200x128xf32>
    %get3A_24 = arith.constant 0 : index
    %get3A_25 = arith.constant 0 : index
    %get3A_26 = vector.load %arg2[%get3A_24, %get3A_25] : memref<200x128xf32, #tpu.memory_space<vmem>>, vector<200x128xf32>
    %mul3A_27 = vector.broadcast %mul3A_15 : vector<1x128xf32> to vector<200x128xf32>
    %mul3A_28 = arith.mulf %get3A_26, %mul3A_27 : vector<200x128xf32>
    %add3A_29 = arith.addf %get3A_23, %mul3A_28 : vector<200x128xf32>
    %add3A_30 = vector.broadcast %sub3A_20 : vector<1x128xf32> to vector<200x128xf32>
    %add3A_31 = arith.addf %add3A_29, %add3A_30 : vector<200x128xf32>
    %custom_jvp_call3A = arith.constant 0.000000e+00 : f32
    %max3A = vector.broadcast %custom_jvp_call3A : f32 to vector<200x128xf32>
    %max3A_32 = arith.maximumf %add3A_31, %max3A : vector<200x128xf32>
    %sub3A_33 = vector.broadcast %custom_jvp_call3A : f32 to vector<200x128xf32>
    %sub3A_34 = arith.subf %add3A_31, %sub3A_33 : vector<200x128xf32>
    %ne3A = arith.cmpf one, %sub3A_34, %sub3A_34 : vector<200x128xf32>
    %add3A_35 = vector.broadcast %custom_jvp_call3A : f32 to vector<200x128xf32>
    %add3A_36 = arith.addf %add3A_31, %add3A_35 : vector<200x128xf32>
    %abs3A = math.absf %sub3A_34 : vector<200x128xf32>
    %neg3A = arith.constant 0.000000e+00 : f32
    %neg3A_37 = vector.broadcast %neg3A : f32 to vector<200x128xf32>
    %neg3A_38 = arith.subf %neg3A_37, %abs3A : vector<200x128xf32>
    %exp3A = math.exp %neg3A_38 : vector<200x128xf32>
    %log1p3A = math.log1p %exp3A : vector<200x128xf32>
    %add3A_39 = arith.addf %max3A_32, %log1p3A : vector<200x128xf32>
    %select_n3A = arith.select %ne3A, %add3A_36, %add3A_39 : vector<200x128xi1>, vector<200x128xf32>
    %swap3A = arith.constant 0 : index
    %swap3A_40 = arith.constant 0 : index
    %swap3A_41 = vector.load %arg7[%swap3A, %swap3A_40] : memref<200x128xf32, #tpu.memory_space<vmem>>, vector<200x128xf32>
    tpu.vector_store %arg7[%swap3A, %swap3A_40], %select_n3A {strides = array<i32>} : memref<200x128xf32, #tpu.memory_space<vmem>>, vector<200x128xf32>,
    return
  }
  func.func @transform_0(%arg0: i32) -> (i32, i32) {
    %c0_i32 = arith.constant 0 : i32
    %c0_i32_0 = arith.constant 0 : i32
    return %arg0, %c0_i32 : i32, i32
  }
  func.func @transform_1(%arg0: i32) -> (i32, i32) {
    %c0_i32 = arith.constant 0 : i32
    %c0_i32_0 = arith.constant 0 : i32
    return %arg0, %c0_i32 : i32, i32
  }
  func.func @transform_2(%arg0: i32) -> (i32, i32) {
    %c0_i32 = arith.constant 0 : i32
    %c0_i32_0 = arith.constant 0 : i32
    %c0_i32_1 = arith.constant 0 : i32
    return %c0_i32, %c0_i32_0 : i32, i32
  }
  func.func @transform_3(%arg0: i32) -> (i32, i32) {
    %c0_i32 = arith.constant 0 : i32
    %c0_i32_0 = arith.constant 0 : i32
    %c0_i32_1 = arith.constant 0 : i32
    return %c0_i32, %c0_i32_0 : i32, i32
  }
  func.func @transform_4(%arg0: i32) -> (i32, i32) {
    %c0_i32 = arith.constant 0 : i32
    %c0_i32_0 = arith.constant 0 : i32
    %c0_i32_1 = arith.constant 0 : i32
    return %c0_i32, %c0_i32_0 : i32, i32
  }
  func.func @transform_5(%arg0: i32) -> (i32, i32) {
    %c0_i32 = arith.constant 0 : i32
    %c0_i32_0 = arith.constant 0 : i32
    %c0_i32_1 = arith.constant 0 : i32
    return %c0_i32, %c0_i32_0 : i32, i32
  }
  func.func @transform_6(%arg0: i32) -> (i32, i32) {
    %c0_i32 = arith.constant 0 : i32
    %c0_i32_0 = arith.constant 0 : i32
    return %arg0, %c0_i32 : i32, i32
  }
}

module attributes {stable_mosaic.version = 14 : i64} {
  func.func @_apply_body(%arg0: i32, %arg1: memref<200x128xf32, #tpu.memory_space<vmem>>, %arg2: memref<6400x128xi32, #tpu.memory_space<vmem>>, %arg3: memref<6400x16xbf16, #tpu.memory_space<vmem>>, %arg4: memref<200x32xf32, #tpu.memory_space<vmem>>, %arg5: memref<128x256xbf16, #tpu.memory_space<vmem>>, %arg6: memref<16x256xbf16, #tpu.memory_space<vmem>>, %arg7: memref<1x256xf32, #tpu.memory_space<vmem>>, %arg8: memref<1x256xf32, #tpu.memory_space<vmem>>, %arg9: memref<1x256xf32, #tpu.memory_space<vmem>>, %arg10: memref<1x1xf32, #tpu.memory_space<vmem>>, %arg11: memref<1x256xf32, #tpu.memory_space<vmem>>, %arg12: memref<1x256xf32, #tpu.memory_space<vmem>>, %arg13: memref<200x128xf32, #tpu.memory_space<vmem>>, %arg14: memref<1x128xf32, #tpu.memory_space<vmem>>, %arg15: memref<1x128xf32, #tpu.memory_space<vmem>>) attributes {dimension_semantics = [#tpu.dimension_semantics<arbitrary>], iteration_bounds = array<i64: 50>, scalar_prefetch = 0 : i64, scratch_operands = 0 : i64, tpu.core_type = #tpu.core_type<tc>, window_params = [{transform_indices = @transform_0, window_bounds = array<i64: 200, 128>}, {transform_indices = @transform_1, window_bounds = array<i64: 6400, 128>}, {transform_indices = @transform_2, window_bounds = array<i64: 6400, 16>}, {transform_indices = @transform_3, window_bounds = array<i64: 200, 32>}, {pipeline_mode = #tpu.pipeline_mode<synchronous>, transform_indices = @transform_4, window_bounds = array<i64: 128, 256>}, {pipeline_mode = #tpu.pipeline_mode<synchronous>, transform_indices = @transform_5, window_bounds = array<i64: 16, 256>}, {pipeline_mode = #tpu.pipeline_mode<synchronous>, transform_indices = @transform_6, window_bounds = array<i64: 1, 256>}, {pipeline_mode = #tpu.pipeline_mode<synchronous>, transform_indices = @transform_7, window_bounds = array<i64: 1, 256>}, {pipeline_mode = #tpu.pipeline_mode<synchronous>, transform_indices = @transform_8, window_bounds = array<i64: 1, 256>}, {pipeline_mode = #tpu.pipeline_mode<synchronous>, transform_indices = @transform_9, window_bounds = array<i64: 1, 1>}, {pipeline_mode = #tpu.pipeline_mode<synchronous>, transform_indices = @transform_10, window_bounds = array<i64: 1, 256>}, {pipeline_mode = #tpu.pipeline_mode<synchronous>, transform_indices = @transform_11, window_bounds = array<i64: 1, 256>}, {transform_indices = @transform_12, window_bounds = array<i64: 200, 128>}, {pipeline_mode = #tpu.pipeline_mode<synchronous>, transform_indices = @transform_13, window_bounds = array<i64: 1, 128>}, {pipeline_mode = #tpu.pipeline_mode<synchronous>, transform_indices = @transform_14, window_bounds = array<i64: 1, 128>}]} {
    %get3A = arith.constant 0 : index
    %get3A_0 = arith.constant 0 : index
    %get3A_1 = vector.load %arg10[%get3A, %get3A_0] : memref<1x1xf32, #tpu.memory_space<vmem>>, vector<1x1xf32>
    %get3A_2 = vector.extract %get3A_1[0, 0] : f32 from vector<1x1xf32>
    %get3A_3 = arith.constant 0 : index
    %get3A_4 = arith.constant 0 : index
    %get3A_5 = vector.load %arg8[%get3A_3, %get3A_4] : memref<1x256xf32, #tpu.memory_space<vmem>>, vector<1x256xf32>
    %div3A = vector.broadcast %get3A_2 : f32 to vector<1x256xf32>
    %div3A_6 = arith.divf %get3A_5, %div3A : vector<1x256xf32>
    %get3A_7 = arith.constant 0 : index
    %get3A_8 = arith.constant 0 : index
    %get3A_9 = vector.load %arg9[%get3A_7, %get3A_8] : memref<1x256xf32, #tpu.memory_space<vmem>>, vector<1x256xf32>
    %div3A_10 = vector.broadcast %get3A_2 : f32 to vector<1x256xf32>
    %div3A_11 = arith.divf %get3A_9, %div3A_10 : vector<1x256xf32>
    %mul3A = arith.mulf %div3A_6, %div3A_6 : vector<1x256xf32>
    %sub3A = arith.subf %div3A_11, %mul3A : vector<1x256xf32>
    %add3A = arith.constant 9.99999974E-6 : f32
    %add3A_12 = vector.broadcast %add3A : f32 to vector<1x256xf32>
    %add3A_13 = arith.addf %sub3A, %add3A_12 : vector<1x256xf32>
    %rsqrt3A = math.rsqrt %add3A_13 : vector<1x256xf32>
    %get3A_14 = arith.constant 0 : index
    %get3A_15 = arith.constant 0 : index
    %get3A_16 = vector.load %arg11[%get3A_14, %get3A_15] : memref<1x256xf32, #tpu.memory_space<vmem>>, vector<1x256xf32>
    %mul3A_17 = arith.mulf %rsqrt3A, %get3A_16 : vector<1x256xf32>
    %get3A_18 = arith.constant 0 : index
    %get3A_19 = arith.constant 0 : index
    %get3A_20 = vector.load %arg12[%get3A_18, %get3A_19] : memref<1x256xf32, #tpu.memory_space<vmem>>, vector<1x256xf32>
    %mul3A_21 = arith.mulf %div3A_6, %mul3A_17 : vector<1x256xf32>
    %sub3A_22 = arith.subf %get3A_20, %mul3A_21 : vector<1x256xf32>
    %get3A_23 = arith.constant 0 : index
    %get3A_24 = arith.constant 0 : index
    %get3A_25 = vector.load %arg5[%get3A_23, %get3A_24] : memref<128x256xbf16, #tpu.memory_space<vmem>>, vector<128x256xbf16>
    %convert_element_type3A = arith.extf %get3A_25 : vector<128x256xbf16> to vector<128x256xf32>
    %mul3A_26 = vector.broadcast %mul3A_17 : vector<1x256xf32> to vector<128x256xf32>
    %mul3A_27 = arith.mulf %convert_element_type3A, %mul3A_26 : vector<128x256xf32>
    %convert_element_type3A_28 = arith.truncf %mul3A_27 : vector<128x256xf32> to vector<128x256xbf16>
    %get3A_29 = arith.constant 0 : index
    %get3A_30 = arith.constant 0 : index
    %get3A_31 = vector.load %arg6[%get3A_29, %get3A_30] : memref<16x256xbf16, #tpu.memory_space<vmem>>, vector<16x256xbf16>
    %convert_element_type3A_32 = arith.extf %get3A_31 : vector<16x256xbf16> to vector<16x256xf32>
    %mul3A_33 = vector.broadcast %mul3A_17 : vector<1x256xf32> to vector<16x256xf32>
    %mul3A_34 = arith.mulf %convert_element_type3A_32, %mul3A_33 : vector<16x256xf32>
    %convert_element_type3A_35 = arith.truncf %mul3A_34 : vector<16x256xf32> to vector<16x256xbf16>
    %get3A_36 = arith.constant 0 : index
    %get3A_37 = arith.constant 0 : index
    %get3A_38 = vector.load %arg1[%get3A_36, %get3A_37] : memref<200x128xf32, #tpu.memory_space<vmem>>, vector<200x128xf32>
    %convert_element_type3A_39 = arith.truncf %get3A_38 : vector<200x128xf32> to vector<200x128xbf16>
    %dot_general3A = arith.constant dense<0.000000e+00> : vector<200x256xf32>
    %dot_general3A_40 = tpu.matmul %convert_element_type3A_39, %convert_element_type3A_28, %dot_general3A {dimension_numbers = #tpu.dot_dimension_numbers<[1], [0], [0], [1], [0, 0, 1, 1], [], []>, transpose_lhs_hint = false} : vector<200x128xbf16>, vector<128x256xbf16>, vector<200x256xf32> -> vector<200x256xf32>
    %get3A_41 = arith.constant 0 : index
    %get3A_42 = arith.constant 0 : index
    %get3A_43 = vector.load %arg7[%get3A_41, %get3A_42] : memref<1x256xf32, #tpu.memory_space<vmem>>, vector<1x256xf32>
    %mul3A_44 = arith.mulf %get3A_43, %mul3A_17 : vector<1x256xf32>
    %add3A_45 = arith.addf %mul3A_44, %sub3A_22 : vector<1x256xf32>
    %add3A_46 = vector.broadcast %add3A_45 : vector<1x256xf32> to vector<200x256xf32>
    %add3A_47 = arith.addf %dot_general3A_40, %add3A_46 : vector<200x256xf32>
    %get3A_48 = arith.constant 0 : index
    %get3A_49 = arith.constant 0 : index
    %get3A_50 = vector.load %arg2[%get3A_48, %get3A_49] : memref<6400x128xi32, #tpu.memory_space<vmem>>, vector<6400x128xi32>
    %shift_left3A = arith.constant 16 : i32
    %shift_left3A_51 = vector.broadcast %shift_left3A : i32 to vector<6400x128xi32>
    %shift_left3A_52 = arith.shli %get3A_50, %shift_left3A_51 : vector<6400x128xi32>
    %bitcast_convert_type3A = tpu.bitcast %shift_left3A_52 : vector<6400x128xi32> -> vector<6400x128xf32>
    %and3A = arith.constant -65536 : i32
    %and3A_53 = vector.broadcast %and3A : i32 to vector<6400x128xi32>
    %and3A_54 = arith.andi %get3A_50, %and3A_53 : vector<6400x128xi32>
    %bitcast_convert_type3A_55 = tpu.bitcast %and3A_54 : vector<6400x128xi32> -> vector<6400x128xf32>
    %concatenate3A = tpu.concatenate %bitcast_convert_type3A, %bitcast_convert_type3A_55 in 1 : vector<6400x128xf32>, vector<6400x128xf32> -> vector<6400x256xf32>
    %mul3A_56 = vector.broadcast %mul3A_17 : vector<1x256xf32> to vector<6400x256xf32>
    %mul3A_57 = arith.mulf %concatenate3A, %mul3A_56 : vector<6400x256xf32>
    %get3A_58 = arith.constant 0 : index
    %get3A_59 = arith.constant 0 : index
    %get3A_60 = vector.load %arg3[%get3A_58, %get3A_59] : memref<6400x16xbf16, #tpu.memory_space<vmem>>, vector<6400x16xbf16>
    %dot_general3A_61 = arith.constant dense<0.000000e+00> : vector<6400x256xf32>
    %dot_general3A_62 = tpu.matmul %get3A_60, %convert_element_type3A_35, %dot_general3A_61 {dimension_numbers = #tpu.dot_dimension_numbers<[1], [0], [0], [1], [0, 0, 1, 1], [], []>, transpose_lhs_hint = false} : vector<6400x16xbf16>, vector<16x256xbf16>, vector<6400x256xf32> -> vector<6400x256xf32>
    %add3A_63 = arith.addf %mul3A_57, %dot_general3A_62 : vector<6400x256xf32>
    %reshape3A = vector.shape_cast %add3A_63 : vector<6400x256xf32> to vector<200x32x256xf32>
    %broadcast_in_dim3A = vector.shape_cast %add3A_47 : vector<200x256xf32> to vector<200x1x256xf32>
    %add3A_64 = vector.broadcast %broadcast_in_dim3A : vector<200x1x256xf32> to vector<200x32x256xf32>
    %add3A_65 = arith.addf %reshape3A, %add3A_64 : vector<200x32x256xf32>
    %slice3A = vector.extract_strided_slice %add3A_65 {offsets = [0, 0, 0], sizes = [200, 32, 128], strides = [1, 1, 1]} : vector<200x32x256xf32> to vector<200x32x128xf32>
    %logistic3A = arith.negf %slice3A : vector<200x32x128xf32>
    %logistic3A_66 = math.exp %logistic3A : vector<200x32x128xf32>
    %logistic3A_67 = arith.constant 1.000000e+00 : f32
    %logistic3A_68 = vector.broadcast %logistic3A_67 : f32 to vector<200x32x128xf32>
    %logistic3A_69 = arith.addf %logistic3A_68, %logistic3A_66 : vector<200x32x128xf32>
    %logistic3A_70 = arith.divf %logistic3A_68, %logistic3A_69 : vector<200x32x128xf32>
    %slice3A_71 = vector.extract_strided_slice %add3A_65 {offsets = [0, 0, 128], sizes = [200, 32, 128], strides = [1, 1, 1]} : vector<200x32x256xf32> to vector<200x32x128xf32>
    %custom_jvp_call3A = arith.constant 0.000000e+00 : f32
    %max3A = vector.broadcast %custom_jvp_call3A : f32 to vector<200x32x128xf32>
    %max3A_72 = arith.maximumf %slice3A_71, %max3A : vector<200x32x128xf32>
    %sub3A_73 = vector.broadcast %custom_jvp_call3A : f32 to vector<200x32x128xf32>
    %sub3A_74 = arith.subf %slice3A_71, %sub3A_73 : vector<200x32x128xf32>
    %ne3A = arith.cmpf one, %sub3A_74, %sub3A_74 : vector<200x32x128xf32>
    %add3A_75 = vector.broadcast %custom_jvp_call3A : f32 to vector<200x32x128xf32>
    %add3A_76 = arith.addf %slice3A_71, %add3A_75 : vector<200x32x128xf32>
    %abs3A = math.absf %sub3A_74 : vector<200x32x128xf32>
    %neg3A = arith.constant 0.000000e+00 : f32
    %neg3A_77 = vector.broadcast %neg3A : f32 to vector<200x32x128xf32>
    %neg3A_78 = arith.subf %neg3A_77, %abs3A : vector<200x32x128xf32>
    %exp3A = math.exp %neg3A_78 : vector<200x32x128xf32>
    %log1p3A = math.log1p %exp3A : vector<200x32x128xf32>
    %add3A_79 = arith.addf %max3A_72, %log1p3A : vector<200x32x128xf32>
    %select_n3A = arith.select %ne3A, %add3A_76, %add3A_79 : vector<200x32x128xi1>, vector<200x32x128xf32>
    %mul3A_80 = arith.mulf %logistic3A_70, %select_n3A : vector<200x32x128xf32>
    %get3A_81 = arith.constant 0 : index
    %get3A_82 = arith.constant 0 : index
    %get3A_83 = vector.load %arg4[%get3A_81, %get3A_82] : memref<200x32xf32, #tpu.memory_space<vmem>>, vector<200x32xf32>
    %broadcast_in_dim3A_84 = vector.shape_cast %get3A_83 : vector<200x32xf32> to vector<200x32x1xf32>
    %mul3A_85 = vector.broadcast %broadcast_in_dim3A_84 : vector<200x32x1xf32> to vector<200x32x128xf32>
    %mul3A_86 = arith.mulf %mul3A_80, %mul3A_85 : vector<200x32x128xf32>
    %reduce_sum3A = arith.constant dense<0.000000e+00> : vector<200x128xf32>
    %reduce_sum3A_87 = vector.multi_reduction <add>, %mul3A_86, %reduce_sum3A [1] : vector<200x32x128xf32> to vector<200x128xf32>
    %swap3A = arith.constant 0 : index
    %swap3A_88 = arith.constant 0 : index
    %swap3A_89 = vector.load %arg13[%swap3A, %swap3A_88] : memref<200x128xf32, #tpu.memory_space<vmem>>, vector<200x128xf32>
    tpu.vector_store %arg13[%swap3A, %swap3A_88], %reduce_sum3A_87 {strides = array<i32>} : memref<200x128xf32, #tpu.memory_space<vmem>>, vector<200x128xf32>,
    %eq3A = arith.constant 0 : i32
    %eq3A_90 = arith.cmpi eq, %arg0, %eq3A : i32
    %convert_element_type3A_91 = arith.extui %eq3A_90 : i1 to i32
    %cond3A = arith.constant 0 : i32
    %cond3A_92 = arith.cmpi ne, %convert_element_type3A_91, %cond3A : i32
    scf.if %cond3A_92 {
      %broadcast_in_dim3A_114 = arith.constant 0.000000e+00 : f32
      %broadcast_in_dim3A_115 = vector.broadcast %broadcast_in_dim3A_114 : f32 to vector<1x128xf32>
      %swap3A_116 = arith.constant 0 : index
      %swap3A_117 = arith.constant 0 : index
      %swap3A_118 = vector.load %arg14[%swap3A_116, %swap3A_117] : memref<1x128xf32, #tpu.memory_space<vmem>>, vector<1x128xf32>
      tpu.vector_store %arg14[%swap3A_116, %swap3A_117], %broadcast_in_dim3A_115 {strides = array<i32>} : memref<1x128xf32, #tpu.memory_space<vmem>>, vector<1x128xf32>,
      %broadcast_in_dim3A_119 = arith.constant 0.000000e+00 : f32
      %broadcast_in_dim3A_120 = vector.broadcast %broadcast_in_dim3A_119 : f32 to vector<1x128xf32>
      %swap3A_121 = arith.constant 0 : index
      %swap3A_122 = arith.constant 0 : index
      %swap3A_123 = vector.load %arg15[%swap3A_121, %swap3A_122] : memref<1x128xf32, #tpu.memory_space<vmem>>, vector<1x128xf32>
      tpu.vector_store %arg15[%swap3A_121, %swap3A_122], %broadcast_in_dim3A_120 {strides = array<i32>} : memref<1x128xf32, #tpu.memory_space<vmem>>, vector<1x128xf32>,
    } else {
    }
    %get3A_93 = arith.constant 0 : index
    %get3A_94 = arith.constant 0 : index
    %get3A_95 = vector.load %arg14[%get3A_93, %get3A_94] : memref<1x128xf32, #tpu.memory_space<vmem>>, vector<1x128xf32>
    %reduce_sum3A_96 = arith.constant dense<0.000000e+00> : vector<128xf32>
    %reduce_sum3A_97 = vector.multi_reduction <add>, %reduce_sum3A_87, %reduce_sum3A_96 [0] : vector<200x128xf32> to vector<128xf32>
    %broadcast_in_dim3A_98 = vector.shape_cast %reduce_sum3A_97 : vector<128xf32> to vector<1x128xf32>
    %add3A_99 = arith.addf %get3A_95, %broadcast_in_dim3A_98 : vector<1x128xf32>
    %swap3A_100 = arith.constant 0 : index
    %swap3A_101 = arith.constant 0 : index
    %swap3A_102 = vector.load %arg14[%swap3A_100, %swap3A_101] : memref<1x128xf32, #tpu.memory_space<vmem>>, vector<1x128xf32>
    tpu.vector_store %arg14[%swap3A_100, %swap3A_101], %add3A_99 {strides = array<i32>} : memref<1x128xf32, #tpu.memory_space<vmem>>, vector<1x128xf32>,
    %get3A_103 = arith.constant 0 : index
    %get3A_104 = arith.constant 0 : index
    %get3A_105 = vector.load %arg15[%get3A_103, %get3A_104] : memref<1x128xf32, #tpu.memory_space<vmem>>, vector<1x128xf32>
    %mul3A_106 = arith.mulf %reduce_sum3A_87, %reduce_sum3A_87 : vector<200x128xf32>
    %reduce_sum3A_107 = arith.constant dense<0.000000e+00> : vector<128xf32>
    %reduce_sum3A_108 = vector.multi_reduction <add>, %mul3A_106, %reduce_sum3A_107 [0] : vector<200x128xf32> to vector<128xf32>
    %broadcast_in_dim3A_109 = vector.shape_cast %reduce_sum3A_108 : vector<128xf32> to vector<1x128xf32>
    %add3A_110 = arith.addf %get3A_105, %broadcast_in_dim3A_109 : vector<1x128xf32>
    %swap3A_111 = arith.constant 0 : index
    %swap3A_112 = arith.constant 0 : index
    %swap3A_113 = vector.load %arg15[%swap3A_111, %swap3A_112] : memref<1x128xf32, #tpu.memory_space<vmem>>, vector<1x128xf32>
    tpu.vector_store %arg15[%swap3A_111, %swap3A_112], %add3A_110 {strides = array<i32>} : memref<1x128xf32, #tpu.memory_space<vmem>>, vector<1x128xf32>,
    return
  }
  func.func @transform_0(%arg0: i32) -> (i32, i32) {
    %c0_i32 = arith.constant 0 : i32
    %c0_i32_0 = arith.constant 0 : i32
    return %arg0, %c0_i32 : i32, i32
  }
  func.func @transform_1(%arg0: i32) -> (i32, i32) {
    %c0_i32 = arith.constant 0 : i32
    %c0_i32_0 = arith.constant 0 : i32
    return %arg0, %c0_i32 : i32, i32
  }
  func.func @transform_2(%arg0: i32) -> (i32, i32) {
    %c0_i32 = arith.constant 0 : i32
    %c0_i32_0 = arith.constant 0 : i32
    return %arg0, %c0_i32 : i32, i32
  }
  func.func @transform_3(%arg0: i32) -> (i32, i32) {
    %c0_i32 = arith.constant 0 : i32
    %c0_i32_0 = arith.constant 0 : i32
    return %arg0, %c0_i32 : i32, i32
  }
  func.func @transform_4(%arg0: i32) -> (i32, i32) {
    %c0_i32 = arith.constant 0 : i32
    %c0_i32_0 = arith.constant 0 : i32
    %c0_i32_1 = arith.constant 0 : i32
    return %c0_i32, %c0_i32_0 : i32, i32
  }
  func.func @transform_5(%arg0: i32) -> (i32, i32) {
    %c0_i32 = arith.constant 0 : i32
    %c0_i32_0 = arith.constant 0 : i32
    %c0_i32_1 = arith.constant 0 : i32
    return %c0_i32, %c0_i32_0 : i32, i32
  }
  func.func @transform_6(%arg0: i32) -> (i32, i32) {
    %c0_i32 = arith.constant 0 : i32
    %c0_i32_0 = arith.constant 0 : i32
    %c0_i32_1 = arith.constant 0 : i32
    return %c0_i32, %c0_i32_0 : i32, i32
  }
  func.func @transform_7(%arg0: i32) -> (i32, i32) {
    %c0_i32 = arith.constant 0 : i32
    %c0_i32_0 = arith.constant 0 : i32
    %c0_i32_1 = arith.constant 0 : i32
    return %c0_i32, %c0_i32_0 : i32, i32
  }
  func.func @transform_8(%arg0: i32) -> (i32, i32) {
    %c0_i32 = arith.constant 0 : i32
    %c0_i32_0 = arith.constant 0 : i32
    %c0_i32_1 = arith.constant 0 : i32
    return %c0_i32, %c0_i32_0 : i32, i32
  }
  func.func @transform_9(%arg0: i32) -> (i32, i32) {
    %c0_i32 = arith.constant 0 : i32
    %c0_i32_0 = arith.constant 0 : i32
    %c0_i32_1 = arith.constant 0 : i32
    return %c0_i32, %c0_i32_0 : i32, i32
  }
  func.func @transform_10(%arg0: i32) -> (i32, i32) {
    %c0_i32 = arith.constant 0 : i32
    %c0_i32_0 = arith.constant 0 : i32
    %c0_i32_1 = arith.constant 0 : i32
    return %c0_i32, %c0_i32_0 : i32, i32
  }
  func.func @transform_11(%arg0: i32) -> (i32, i32) {
    %c0_i32 = arith.constant 0 : i32
    %c0_i32_0 = arith.constant 0 : i32
    %c0_i32_1 = arith.constant 0 : i32
    return %c0_i32, %c0_i32_0 : i32, i32
  }
  func.func @transform_12(%arg0: i32) -> (i32, i32) {
    %c0_i32 = arith.constant 0 : i32
    %c0_i32_0 = arith.constant 0 : i32
    return %arg0, %c0_i32 : i32, i32
  }
  func.func @transform_13(%arg0: i32) -> (i32, i32) {
    %c0_i32 = arith.constant 0 : i32
    %c0_i32_0 = arith.constant 0 : i32
    %c0_i32_1 = arith.constant 0 : i32
    return %c0_i32, %c0_i32_0 : i32, i32
  }
  func.func @transform_14(%arg0: i32) -> (i32, i32) {
    %c0_i32 = arith.constant 0 : i32
    %c0_i32_0 = arith.constant 0 : i32
    %c0_i32_1 = arith.constant 0 : i32
    return %c0_i32, %c0_i32_0 : i32, i32
  }
}

</mosaic_0001>

<sc_bundles>
// kernel: kernel.7.cloned.1.call-start
scs
__scs_entry_jumppad:
0x0: {  	(pc) =	sbr.rel $0x88, $3  }
0x1: {  	(tag) =	ssettag $0x0;
	lr =	simm.s32 $0x1  }
0x2: {  	[smem:$0x3F97] =	sst lr;
	_ =	strace $0xD0000000  }
0x3: {  	_ = 	snop  }
0x4: {  	_ = 	snop  }
0x5: {  	_ = 	snop  }
0x6: {  	_ = 	snop  }
0x7: {  	_ = 	snop  }
__scs_overlays_trampoline_lowered:
0x8: {  	[smem:$0x3FA6] =	sst s0  }
0x9: {  	[smem:$0x3FA7] =	sst s1  }
0xa: {  	[smem:$0x3FA8] =	sst s2  }
0xb: {  	[smem:$0x3FA9] =	sst s3  }
0xc: {  	[smem:$0x3FAA] =	sst s4  }
0xd: {  	[smem:$0x3FAB] =	sst s5  }
0xe: {  	[smem:$0x3FAC] =	sst s6  }
0xf: {  	[smem:$0x3FAD] =	sst s7  }
0x10: {  	[smem:$0x3FAE] =	sst s8  }
0x11: {  	[smem:$0x3FAF] =	sst s9;
	s0 =	simm.s32 @!p0 $0x0  }
0x12: {  	s1 =	sld [smem:$0x3F95];
	s0 =	simm.s32 @p0 $0x1  }
0x13: {  	[smem:$0x3FB0] =	sst s0;
	s0 =	simm.s32 @!p1 $0x0  }
0x14: {  	s2 =	sld [smem:$0x3F94];
	s0 =	simm.s32 @p1 $0x1  }
0x15: {  	[smem:$0x3FB1] =	sst s0;
	s0 =	simm.s32 @!p2 $0x0  }
0x16: {  	s3 =	sld [smem:$0x3FDB];
	s0 =	simm.s32 @p2 $0x1  }
0x17: {  	s4 =	simm.s32 $0x1BF5;
	[smem:$0x3FB3] =	sst s0  }
0x18: {  	s0 =	sld [smem:$0x3F96];
	_ =	swait.ge [sflag:s4], $0x0  }
0x19: {  	s7 =	sld [smem:$0x3F97]  }
0x1a: {  	s8 =	sadd.s32 $0xFFFFE003, lr  }
0x1b: {  	s9 =	sadd.s32 $0xFFFFFEF7, lr;
	s5 =	simm.s32 $0xFFFFFFFF;
	p2 =	slt.u32 s8, $0xFFFFF086  }
0x1c: {  	p1 =	slt.u32 s9, $0xF7A;
	s5 =	simm.s32 @!p2 $0x0  }
0x1d: {  	s5 =	simm.s32 @p1 $0x1;
	p0 =	seq.s32 s7, s2  }
0x1e: {  	s7 =	smul.u32 @!p0 $0xF7A, s2;
	p2 =	seq.s32 @!p0 s5, $0x0  }
0x1f: {  	s9 =	smul.u32 $0xF7A, s1;
	s8 =	simm.s32 @!p0 $0x1BF5;
	p2 =	por !p2, p0  }
0x20: {  	[sflag:s8] =	ssyncset.s32 @!p0 $0xFFFFF086;
	s6 =	sadd.s32 @!p0 s3, s7;
	s7 =	simm.s32 @!p0 $0x108  }
0x21: {  	s3 =	sadd.s32 s3, s9;
	s6 =	sadd.s32 @!p0 $0x88, s6;
	s7 =	simm.s32 @p2 $0x1082  }
0x22: {  	[simem:s7], [sflag:s8] =	dma.local @!p0 [hbm:s6], $0xF7A  }
0x23: {  	s9 =	sor.u32 $0xD0000000, s2;
	s6 =	simm.s32 $0x108;
	_ =	swait.ge @!p0 [sflag:s8], $0x0  }
0x24: {  	s3 =	sadd.s32 $0x88, s3;
	s6 =	simm.s32 @!p1 $0x1082;
	[sflag:s4] =	ssyncset.s32 $0xFFFFF086  }
0x25: {  	[simem:s6], [sflag:s4] =	dma.local [hbm:s3], $0xF7A  }
0x26: {  	[smem:$0x3F97] =	sst s1;
	(tag) =	ssettag s2;
	_ =	strace s9  }
0x27: {  	s1 =	sld [smem:$0x3FA7]  }
0x28: {  	s2 =	sld [smem:$0x3FA8]  }
0x29: {  	s4 =	sld [smem:$0x3FAA]  }
0x2a: {  	p0 =	seq.s32 s5, $0x0;
	s5 =	sld [smem:$0x3FAB]  }
0x2b: {  	s6 =	sld [smem:$0x3FAC]  }
0x2c: {  	s7 =	sld [smem:$0x3FAD]  }
0x2d: {  	s3 =	simm.s32 $0x108;
	s8 =	sld [smem:$0x3FAE]  }
0x2e: {  	s3 =	simm.s32 @!p0 $0x1082;
	s9 =	sld [smem:$0x3FAF]  }
0x2f: {  	lr =	sadd.s32 s0, s3;
	s0 =	sld [smem:$0x3FA6]  }
0x30: {  	s3 =	sld [smem:$0x3FA9]  }
0x31: {  	[smem:$0x3FB2] =	sst s10  }
0x32: {  	s10 =	sld [smem:$0x3FB0];
	_ =	sdelay $0x3  }
0x33: {  	p0 =	seq.s32 s10, $0x1;
	s10 =	sld [smem:$0x3FB2];
	_ =	sdelay $0x3  }
0x34: {  	[smem:$0x3FB2] =	sst s10  }
0x35: {  	s10 =	sld [smem:$0x3FB1];
	_ =	sdelay $0x3  }
0x36: {  	p1 =	seq.s32 s10, $0x1;
	s10 =	sld [smem:$0x3FB2];
	_ =	sdelay $0x3  }
0x37: {  	[smem:$0x3FB2] =	sst s10  }
0x38: {  	s10 =	sld [smem:$0x3FB3]  }
0x39: {  	_ = 	snop;
	(pc) =	sbr.ind lr, $3  }
0x3a: {  	_ = 	snop  }
0x3b: {  	_ = 	snop  }
0x3c: {  	p2 =	seq.s32 s10, $0x1;
	s10 =	sld [smem:$0x3FB2]  }
0x3d: {  	_ =	shalt  }
0x3e: {  	_ =	shalt  }
0x3f: {  	_ =	shalt  }
0x40: {  	_ =	shalt  }
0x41: {  	_ =	shalt  }
0x42: {  	_ =	shalt  }
0x43: {  	_ =	shalt  }
0x44: {  	_ =	shalt  }
0x45: {  	_ =	shalt  }
0x46: {  	_ =	shalt  }
0x47: {  	_ =	shalt  }
0x48: {  	_ =	shalt  }
0x49: {  	_ =	shalt  }
0x4a: {  	_ =	shalt  }
0x4b: {  	_ =	shalt  }
0x4c: {  	_ =	shalt  }
0x4d: {  	_ =	shalt  }
0x4e: {  	_ =	shalt  }
0x4f: {  	_ =	shalt  }
0x50: {  	_ =	shalt  }
0x51: {  	_ =	shalt  }
0x52: {  	_ =	shalt  }
0x53: {  	_ =	shalt  }
0x54: {  	_ =	shalt  }
0x55: {  	_ =	shalt  }
0x56: {  	_ =	shalt  }
0x57: {  	_ =	shalt  }
0x58: {  	_ =	shalt  }
0x59: {  	_ =	shalt  }
0x5a: {  	_ =	shalt  }
0x5b: {  	_ =	shalt  }
0x5c: {  	_ =	shalt  }
0x5d: {  	_ =	shalt  }
0x5e: {  	_ =	shalt  }
0x5f: {  	_ =	shalt  }
0x60: {  	_ =	shalt  }
0x61: {  	_ =	shalt  }
0x62: {  	_ =	shalt  }
0x63: {  	_ =	shalt  }
0x64: {  	_ =	shalt  }
0x65: {  	_ =	shalt  }
0x66: {  	_ =	shalt  }
0x67: {  	_ =	shalt  }
0x68: {  	_ =	shalt  }
0x69: {  	_ =	shalt  }
0x6a: {  	_ =	shalt  }
0x6b: {  	_ =	shalt  }
0x6c: {  	_ =	shalt  }
0x6d: {  	_ =	shalt  }
0x6e: {  	_ =	shalt  }
0x6f: {  	_ =	shalt  }
0x70: {  	_ =	shalt  }
0x71: {  	_ =	shalt  }
0x72: {  	_ =	shalt  }
0x73: {  	_ =	shalt  }
0x74: {  	_ =	shalt  }
0x75: {  	_ =	shalt  }
0x76: {  	_ =	shalt  }
0x77: {  	_ =	shalt  }
0x78: {  	_ =	shalt  }
0x79: {  	_ =	shalt  }
0x7a: {  	_ =	shalt  }
0x7b: {  	_ =	shalt  }
0x7c: {  	_ =	shalt  }
0x7d: {  	_ =	shalt  }
0x7e: {  	_ =	shalt  }
0x7f: {  	_ =	shalt  }
0x80: {  	_ =	shalt  }
0x81: {  	_ =	shalt  }
0x82: {  	_ =	shalt  }
0x83: {  	_ =	shalt  }
0x84: {  	_ =	shalt  }
0x85: {  	_ =	shalt  }
0x86: {  	_ =	shalt  }
0x87: {  	_ =	shalt  }
.Lfunc_end0:
.L_simem_size_0:
called_computation_lowered:
.L_overlay_start_0:
0x88: {  	s2 =	sld [smem:$0x3FD9]  }
0x89: {  	s3 =	sld [smem:$0x3FFE];
	_ =	sdelay $0x1  }
0x8a: {  	s1 =	srdreg.scid  }
0x8b: {  	s0 =	sand.u32 $0x1, s1  }
0x8c: {  	s17 =	sshll.u32 s0, $0xA;
	s2 =	sadd.s32 s3, s2  }
0x8d: {  	s2 =	sadd.s32 s2, s17  }
0x8e: {  	[smem:$0x3FBE] =	sst s2  }
0x8f: {  	_ = 	snop  }
0x90: {  	s2 =	sld [smem:$0x3FD0];
	(tm) =	ssettm $0x1  }
0x91: {  	s18 =	sld [smem:$0x3FFB];
	_ =	sdelay $0x3  }
0x92: {  	_ =	strace s18  }
0x93: {  	s3 =	sld [smem:$0x3FFC];
	_ =	sdelay $0x3  }
0x94: {  	_ =	strace s3  }
0x95: {  	s3 =	sld [smem:$0x3FFD];
	_ =	sdelay $0x3  }
0x96: {  	_ =	strace s3  }
0x97: {  	_ =	strace $0x8FFFFFFF  }
0x98: {  	s19 =	sld [smem:$0x3FDB];
	_ =	sdelay $0x1  }
0x99: {  	s4 =	simm.s32 $_scs_section_size  }
0x9a: {  	s5 =	simm.s32 $_size__tile_overlayer_lowered;
	s6 =	simm.s32 $_tile_overlayer_lowered  }
0x9b: {  	s22 =	simm.s32 $0x1BFF;
	s21 =	sshll.u32 s6, $0x1;
	s3 =	sadd.s32 s4, s19  }
0x9c: {  	s7 =	simm.s32 $0x0;
	s20 =	sshll.u32 s5, $0x1;
	s5 =	sadd.s32 s21, s3  }
0x9d: {  	[timem:s7], [sflag:s22] =	dma.local [hbm:s5], s20  }
0x9e: {  	_ =	swait.ge [sflag:s22], s20  }
0x9f: {  	s4 =	ssub.s32 $0x0, s20;
	[sflag:s22] =	ssyncset.done $0x0  }
0xa0: {  	[sflag:s22] =	ssyncadd.s32 s4;
	_ =	sdelay $0x1  }
0xa1: {  	s23 =	simm.s32 $0x1B8B  }
0xa2: {  	_ =	swait.ge [sflag:s23], $0x1  }
0xa3: {  	[sflag:s23] =	ssyncset.done $0x0  }
0xa4: {  	s25 =	simm.s32 $0x1B8E;
	s24 =	sld [smem:$0x3FFE];
	[sflag:s23] =	ssyncadd.s32 $0xFFFFFFFF  }
0xa5: {  	s26 =	simm.s32 $execute0_lowered;
	[smem:$0x3FD2] =	sst s25  }
0xa6: {  	s5 =	sshll.u32 s26, $0x1;
	_ =	strace $0x80000046;
	[dreg:$0x1] =	wrdreg $0xFFFFFFFF  }
0xa7: {  	s28 =	simm.s32 $_size_execute0_lowered;
	s3 =	sadd.s32 s3, s5;
	[dreg:$0x0] =	wrdreg $0x0  }
0xa8: {  	s5 =	sshll.u32 s28, $0x1;
	[dreg:$0x2] =	wrdreg s3  }
0xa9: {  	[dreg:$0x3] =	wrdreg s5  }
0xaa: {  	[dreg:$0x4] =	wrdreg $0xC0  }
0xab: {  	_ =	task [dreg:s7], $0x5FFFF  }
0xac: {  	[dreg:$0x1] =	wrdreg $0xFFFFFFFF  }
0xad: {  	[dreg:$0x0] =	wrdreg $0x60  }
0xae: {  	[dreg:$0x2] =	wrdreg s2  }
0xaf: {  	[dreg:$0x3] =	wrdreg s24  }
0xb0: {  	[dreg:$0x4] =	wrdreg $0x9  }
0xb1: {  	_ =	task.clear_ibuf [dreg:s7], $0x5FFFF;
	_ =	strace $0x90000046  }
0xb2: {  	s29 =	simm.s32 $0x9;
	_ =	strace $0x80000048  }
0xb3: {  	_ =	swait.ge [sflag:s29], $0x1  }
0xb4: {  	[sflag:s29] =	ssyncadd.s32 $0xFFFFFFFF  }
0xb5: {  	_ =	strace $0x90000048  }
0xb6: {  	_ =	sfence  }
0xb7: {  	s30 =	sld [smem:$0x0];
	_ =	sdelay $0x2  }
0xb8: {  	s31 =	sshll.u32 s1, $0xD;
	s1 =	sshrl.u32 s1, $0x2  }
0xb9: {  	s3 =	sand.u32 $0x4000, s31;
	s1 =	sadd.s32 s1, s30  }
0xba: {  	s0 =	sor.u32 s3, s0;
	s1 =	sshll.u32 s1, $0x11  }
0xbb: {  	s0 =	sor.u32 s1, s0  }
0xbc: {  	s0 =	sadd.s32 $0x8F2B, s0  }
0xbd: {  	[sflag:s0] =	ssyncadd.remote.s32 $0x1  }
0xbe: {  	_ =	sfence.sel $0xFFFF  }
0xbf: {  	[dreg:$0x0] =	wrdreg $0xFFFFFFFF;
	(pc) =	sbr.abs _section_cstart, $3  }
0xc0: {  	[dreg:$0x1] =	wrdreg $0xFFFFFFFF  }
0xc1: {  	_ =	task.clear_ibuf [dreg:s7], $0x2FFFF;
	_ =	strace $0x9FFFFFFF  }
0xc2: {  	(tm) =	ssettm $0x7FFFFFFF  }
0xc3: {  	_ =	shalt  }
tec
execute0_lowered:
.L_overlay_start_1:
0x0: {  	(tag) =	ssettag $0x1  }
0x1: {  	s2 =	rddreg [dreg:$0x0];
	s1 =	srdreg.scid  }
0x2: {  	s0 =	stileid.u32;
	s4 =	rddreg [dreg:$0x1];
	s3 =	simm.s32 $0x0  }
0x3: {  	s10 =	simm.s32 $0x1;
	s11 =	simm.s32 $0x0;
	s6 =	smul.u32 $0x4E20, s0  }
0x4: {  	s5 =	sand.u32 $0x1, s1;
	s1 =	rddreg [dreg:$0x2];
	s8 =	smul.u32 $0x4E200, s0  }
0x5: {  	[smem:$0x7FF] =	sst s3;
	s7 =	smul.u32 $0x2710, s5;
	s9 =	ssub.s32 $0x2, s5  }
0x6: {  	_ =	strace $0x80000047;
	s5 =	smul.u32 $0x27100, s5;
	s31 =	sshrl.u32 s9, $0x1  }
0x7: {  	s30 =	sadd.s32 s8, s4;
	s6 =	sadd.s32 s7, s6;
	s8 =	ssub.s32 s9, s31  }
0x8: {  	s5 =	sadd.s32 s5, s30;
	s7 =	simm.s32 $0x2;
	s6 =	sshrl.u32 s6, $0x3  }
0x9: {  	s9 =	simm.s32 $0x200;
	s5 =	sadd.s32 $0xE400, s5;
	s6 =	sadd.s32 s6, s4  }
0xa: {  	s4 =	smax.u32 s8, $0x1;
	s8 =	simm.s32 $0x190;
	s6 =	sadd.s32 $0x4600, s6  }
.LBB2_1:
0xb: {  	s12 =	sadd.s32 $0x0, s6  }
0xc: {  	[tilespmem:s3], [sflag:$0x2] =	stream.linear.gather [hbm4b:s12+s3], $0x190, $0x38;
	[tilespmem:$0xCA00] =	vst v63  }
0xd: {  	_ =	swait.ge [sflag:s7], $0x190  }
0xe: {  	[sflag:s7] =	ssyncset.done $0x0  }
0xf: {  	[sflag:s7] =	ssyncadd.s32 $0xFFFFFE70  }
0x10: {  	[tilespmem:s9], [sflag:$0x1] =	stream.indirect.gather [hbm4b:s2+s8], $0x80, s3, s8, $0xb8;
	[tilespmem:$0xCA00] =	vst v63  }
0x11: {  	_ =	swait.ge [sflag:s10], $0xC800  }
0x12: {  	[sflag:s10] =	ssyncset.done $0x0  }
0x13: {  	[sflag:s10] =	ssyncadd.s32 $0xFFFF3800  }
0x14: {  	[hbm4b:s5+s3] =	stream.linear.scatter [tilespmem:s9], [sflag:$0x2], $0xC800, $0x38;
	[tilespmem:$0xCA00] =	vst v63  }
0x15: {  	s13 =	simm.s32 $0x32;
	_ =	swait.ge [sflag:s7], $0xC800  }
0x16: {  	s14 =	simm.s32 $0x64;
	s12 =	sadd.s32 $0x1900, s5;
	[sflag:s7] =	ssyncset.done $0x0  }
.LBB2_2:
0x17: {  	s15 =	sadd.s32 s13, s6  }
0x18: {  	[sflag:s7] =	ssyncadd.s32 $0xFFFF3800;
	s13 =	smov.u32 s14;
	s16 =	sadd.s32 $0x32, s14  }
0x19: {  	[tilespmem:s3], [sflag:$0x2] =	stream.linear.gather [hbm4b:s15+s3], $0x190, $0x38;
	[tilespmem:$0xCA00] =	vst v63  }
0x1a: {  	p0 =	sne.s32 s14, $0x4B0;
	_ =	swait.ge [sflag:s7], $0x190  }
0x1b: {  	[sflag:s7] =	ssyncset.done $0x0  }
0x1c: {  	[sflag:s7] =	ssyncadd.s32 $0xFFFFFE70  }
0x1d: {  	[tilespmem:s9], [sflag:$0x1] =	stream.indirect.gather [hbm4b:s2+s8], $0x80, s3, s8, $0xb8;
	[tilespmem:$0xCA00] =	vst v63  }
0x1e: {  	_ =	swait.ge [sflag:s10], $0xC800  }
.Ltmp0:
0x1f: {  	[sflag:s10] =	ssyncset.done $0x0;
	(pc) =	sbr.rel @p0 .LBB2_2-.Ltmp0, $4  }
0x20: {  	[sflag:s10] =	ssyncadd.s32 $0xFFFF3800  }
0x21: {  	[hbm4b:s12+s3] =	stream.linear.scatter [tilespmem:s9], [sflag:$0x2], $0xC800, $0x38;
	[tilespmem:$0xCA00] =	vst v63  }
0x22: {  	_ =	swait.ge [sflag:s7], $0xC800  }
0x23: {  	s14 =	smov.u32 s16;
	s12 =	sadd.s32 $0x1900, s12;
	[sflag:s7] =	ssyncset.done $0x0  }
0x24: {  	s13 =	sadd.s32 s13, s6;
	[sflag:s7] =	ssyncadd.s32 $0xFFFF3800  }
0x25: {  	[tilespmem:s3], [sflag:$0x2] =	stream.linear.gather [hbm4b:s13+s3], $0x190, $0x38;
	[tilespmem:$0xCA00] =	vst v63  }
0x26: {  	_ =	swait.ge [sflag:s7], $0x190  }
0x27: {  	[sflag:s7] =	ssyncset.done $0x0  }
0x28: {  	[sflag:s7] =	ssyncadd.s32 $0xFFFFFE70  }
0x29: {  	[tilespmem:s9], [sflag:$0x1] =	stream.indirect.gather [hbm4b:s2+s8], $0x80, s3, s8, $0xb8;
	[tilespmem:$0xCA00] =	vst v63  }
0x2a: {  	s11 =	sadd.s32 $0x1, s11;
	_ =	swait.ge [sflag:s10], $0xC800  }
0x2b: {  	p0 =	sne.s32 s11, s4;
	[sflag:s10] =	ssyncset.done $0x0  }
.Ltmp1:
0x2c: {  	[sflag:s10] =	ssyncadd.s32 $0xFFFF3800;
	(pc) =	sbr.rel @p0 .LBB2_1-.Ltmp1, $4  }
0x2d: {  	[hbm4b:s12+s3] =	stream.linear.scatter [tilespmem:s9], [sflag:$0x2], $0xC800, $0x38;
	[tilespmem:$0xCA00] =	vst v63  }
0x2e: {  	_ =	swait.ge [sflag:s7], $0xC800  }
0x2f: {  	[sflag:s7] =	ssyncset.done $0x0  }
0x30: {  	[sflag:s7] =	ssyncadd.s32 $0xFFFF3800  }
0x31: {  	_ =	sfence.sel $0x180000  }
0x32: {  	[bflag:$0x0] =	sbarrier.arrive $0xFFFF  }
0x33: {  	p0 =	sne.s32 s0, $0x0;
	_ =	strace $0x90000047  }
0x34: {  	s0 =	sadd.s32 @!p0 $0x100000, s1;
	[bflag:$0x2] =	sbarrier.arrive $0xFFFF  }
0x35: {  	[sflag:s0] =	ssyncadd.tile.s32 @!p0 $0x1;
	_ =	shalt  }
.Lfunc_end2:
_tile_overlayer_lowered:
.L_overlay_start_2:
0x36: {  	(tag) =	ssettag $0x2  }
0x37: {  	s0 =	rddreg [dreg:$0x0];
	s2 =	stileid.u32  }
0x38: {  	s1 =	rddreg [dreg:$0x1];
	p0 =	sne.s32 s2, $0x0  }
0x39: {  	s3 =	rddreg [dreg:$0x2];
	[bflag:$0x3] =	sbarrier.arrive $0xFFFF;
	s2 =	simm.s32 @!p0 $0x1C02  }
0x3a: {  	[timem:s3], [sflag:s2] =	dma.local @!p0 [hbm:s0], s1  }
0x3b: {  	s0 =	simm.s32 @!p0 $0x2  }
0x3c: {  	_ =	swait.ge @!p0 [sflag:s0], s1  }
0x3d: {  	s1 =	ssub.s32 @!p0 $0x0, s1;
	[sflag:s0] =	ssyncset.done @!p0 $0x0  }
0x3e: {  	[sflag:s0] =	ssyncadd.s32 @!p0 s1  }
0x3f: {  	[bflag:$0x3] =	sbarrier.arrive $0xFFFF  }
0x40: {  	_ =	shalt  }

</sc_bundles>
